<compile_context>
chip_gen: v7x
topology: tpu7x:2x2x1
jax: 0.10.2.dev20260603
libtpu: 0.0.44.dev20260713+nightly
codegen_flags: <defaults>
</compile_context>

<pallas_src>
import jax
import jax.numpy as jnp
from jax import lax
from jax.experimental import pallas as pl
from jax.experimental.pallas import tpu as pltpu
from jax.experimental.pallas import tpu_sc as plsc

NC, NS, LANES = 2, 16, 16
NW = NC * NS
NBUF = 4
WROW = 128


def kernel(input_seq, input_mask, table):
    L, B = input_seq.shape
    V, D = table.shape
    BPW = B // NW
    KD = D // LANES
    KB = BPW // LANES

    def body_b(seq_hbm, mask_hbm, t2_hbm, out_hbm,
               seq_v, tgt_v, gb0, gb1, gb2, gb3, acc_v, cnt_v, shacc,
               gs0, gs1, gs2, gs3, ss0, ss1, ss2, ss3):
        gb = (gb0, gb1, gb2, gb3)
        gsem = (gs0, gs1, gs2, gs3)
        ssem = (ss0, ss1, ss2, ss3)

        sid = lax.axis_index("s")
        wid = sid * NC + lax.axis_index("c")
        base = wid * BPW
        srow = sid * (BPW + 1)

        pltpu.sync_copy(seq_hbm.at[:, pl.ds(base, BPW)], seq_v)
        pltpu.sync_copy(mask_hbm.at[:, pl.ds(base, BPW)], tgt_v)

        zero = jnp.zeros((LANES,), jnp.float32)

        def zbody(i, c):
            for k in range(KD):
                acc_v[i, pl.ds(k * LANES, LANES)] = zero
            return c

        lax.fori_loop(0, BPW + 1, zbody, 0)
        pltpu.sync_copy(acc_v, shacc.at[pl.ds(srow, BPW + 1)])

        iotas = [jnp.arange(k * LANES, (k + 1) * LANES, dtype=jnp.int32)
                 for k in range(KB)]
        trash = jnp.full((LANES,), BPW, jnp.int32)

        def cbody(l, cnts):
            out = []
            for k in range(KB):
                sl = pl.ds(k * LANES, LANES)
                m = tgt_v[l, sl]
                tgt_v[l, sl] = srow + jnp.where(m != 0, iotas[k], trash)
                seq_v[l, sl] = seq_v[l, sl] * 2
                out.append(cnts[k] + m)
            return tuple(out)

        cnts = lax.fori_loop(
            0, L, cbody,
            tuple(jnp.zeros((LANES,), jnp.int32) for _ in range(KB)))
        for k in range(KB):
            cnt_v[pl.ds(k * LANES, LANES)] = 1.0 / cnts[k].astype(jnp.float32)

        for b in range(NBUF):
            pltpu.async_copy(t2_hbm.at[seq_v.at[b]], gb[b], gsem[b])

        def step(l, b, issue_next):
            pltpu.make_async_copy(t2_hbm.at[seq_v.at[l]], gb[b],
                                  gsem[b]).wait()
            pltpu.async_copy(gb[b], shacc.at[tgt_v.at[l]], ssem[b], add=True)
            pltpu.make_async_copy(gb[b], shacc.at[tgt_v.at[l]],
                                  ssem[b]).wait()
            if issue_next:
                pltpu.async_copy(t2_hbm.at[seq_v.at[l + NBUF]], gb[b],
                                 gsem[b])

        NG = L // NBUF

        def gbody(g, c):
            for b in range(NBUF):
                step(g * NBUF + b, b, True)
            return c

        lax.fori_loop(0, NG - 1, gbody, 0)
        for b in range(NBUF):
            step((NG - 1) * NBUF + b, b, False)

        pltpu.sync_copy(shacc.at[pl.ds(srow, BPW)], acc_v.at[pl.ds(0, BPW)])

        lane_iota = jnp.arange(LANES, dtype=jnp.int32)

        def dbody(i, c):
            grp = i // LANES
            lane = i - grp * LANES
            rv = cnt_v[pl.ds(grp * LANES, LANES)]
            w = jnp.sum(jnp.where(lane_iota == lane, rv, 0.0))
            wv = jnp.full((LANES,), w, jnp.float32)
            for k in range(KD):
                sl = pl.ds(k * LANES, LANES)
                acc_v[i, sl] = acc_v[i, sl] * wv
            return c

        lax.fori_loop(0, BPW, dbody, 0)

        pltpu.sync_copy(acc_v.at[pl.ds(0, BPW)], out_hbm.at[pl.ds(base, BPW)])

    mesh = plsc.VectorSubcoreMesh(core_axis_name="c", subcore_axis_name="s",
                                  num_cores=NC, num_subcores=NS)

    t128 = jnp.pad(table, ((0, 0), (0, WROW - D)))
    t2 = jnp.reshape(t128, (2 * V, D))

    run_b = pl.kernel(
        body_b,
        out_type=jax.ShapeDtypeStruct((B, D), jnp.float32),
        mesh=mesh,
        compiler_params=pltpu.CompilerParams(needs_layout_passes=False,
                                             use_tc_tiling_on_sc=False,
                                             disable_bounds_checks=True),
        scratch_types=[
            pltpu.VMEM((L, BPW), jnp.int32),
            pltpu.VMEM((L, BPW), jnp.int32),
            *[pltpu.VMEM((BPW, D), jnp.float32) for _ in range(NBUF)],
            pltpu.VMEM((BPW + 1, D), jnp.float32),
            pltpu.VMEM((BPW,), jnp.float32),
            pltpu.VMEM_SHARED((NS * (BPW + 1), D), jnp.float32),
            *[pltpu.SemaphoreType.DMA for _ in range(2 * NBUF)],
        ],
    )
    return run_b(input_seq, input_mask, t2)

# --- scband reference (transcript-rebuilt; emitter-appended) ---
"""Pipeline reference for scband-encoder-avg-48687749267917 (READ-ONLY COPY).

The authoritative reference and input builder live on the scoring server;
editing this copy changes nothing except your own understanding.
"""

import jax, jax.numpy as jnp
import numpy as np

L, B, V, D = 200, 4096, 1000000, 64

def setup_inputs(seed: int = 0) -> dict:
    key = jax.random.key(seed)
    k1, k2, k3 = jax.random.split(key, 3)
    input_seq = jax.random.randint(k1, (L, B), 0, V, dtype=jnp.int32)
    input_mask = jax.random.randint(k2, (L, B), 0, 2, dtype=jnp.int32)
    table = jax.random.normal(k3, (V, D), dtype=jnp.float32) * 0.02
    return {"input_seq": input_seq, "input_mask": input_mask, "table": table}

def reference(input_seq, input_mask, table):
    # EncoderAvg.forward: embedding lookup then mask-weighted average over seq dim 0
    embedded = jnp.take(table, input_seq, axis=0)  # [L, B, D]
    w = input_mask.reshape(input_mask.shape[0], input_mask.shape[1], -1).astype(jnp.float32)  # [L, B, 1]
    y = (embedded * w).sum(axis=0)  # [B, D]
    # tonorm=True branch
    denom = input_mask.astype(jnp.float32).sum(axis=0)[:, None]  # [B, 1]
    y = y / denom
    return y

if __name__ == "__main__":
    import jax
    _d = setup_inputs()
    print(jax.jit(kernel)(*tuple(_d.values())))

</pallas_src>

<mosaic_0001>
#map = affine_map<(d0, d1) -> (0, 0)>
module attributes {stable_mosaic.version = 14 : i64} {
  func.func @body_b(%arg0: i32, %arg1: i32, %arg2: memref<200x4096xi32, #tpu.memory_space<hbm>>, %arg3: memref<200x4096xi32, #tpu.memory_space<hbm>>, %arg4: memref<2000000x64xf32, #tpu.memory_space<hbm>>, %arg5: memref<4096x64xf32, #tpu.memory_space<hbm>>, %arg6: memref<200x128xi32, #tpu.memory_space<vmem>>, %arg7: memref<200x128xi32, #tpu.memory_space<vmem>>, %arg8: memref<128x64xf32, #tpu.memory_space<vmem>>, %arg9: memref<128x64xf32, #tpu.memory_space<vmem>>, %arg10: memref<128x64xf32, #tpu.memory_space<vmem>>, %arg11: memref<128x64xf32, #tpu.memory_space<vmem>>, %arg12: memref<129x64xf32, #tpu.memory_space<vmem>>, %arg13: memref<128xf32, #tpu.memory_space<vmem>>, %arg14: memref<2064x64xf32, #tpu.memory_space<vmem_shared>>, %arg15: memref<!tpu.dma_semaphore, #tpu.memory_space<semaphore_mem>>, %arg16: memref<!tpu.dma_semaphore, #tpu.memory_space<semaphore_mem>>, %arg17: memref<!tpu.dma_semaphore, #tpu.memory_space<semaphore_mem>>, %arg18: memref<!tpu.dma_semaphore, #tpu.memory_space<semaphore_mem>>, %arg19: memref<!tpu.dma_semaphore, #tpu.memory_space<semaphore_mem>>, %arg20: memref<!tpu.dma_semaphore, #tpu.memory_space<semaphore_mem>>, %arg21: memref<!tpu.dma_semaphore, #tpu.memory_space<semaphore_mem>>, %arg22: memref<!tpu.dma_semaphore, #tpu.memory_space<semaphore_mem>>) attributes {dimension_semantics = [#tpu.dimension_semantics<core_parallel>, #tpu.dimension_semantics<subcore_parallel>], iteration_bounds = array<i64: 2, 16>, scalar_prefetch = 0 : i64, scratch_operands = 17 : i64, tpu.core_type = #tpu.core_type<sc_vector_subcore>, window_params = [{transform_indices = #map}, {transform_indices = #map}, {transform_indices = #map}, {transform_indices = #map}]} {
    %mul3A = arith.constant 2 : i32
    %mul3A_0 = arith.muli %arg1, %mul3A : i32
    %add3A = arith.addi %mul3A_0, %arg0 : i32
    %mul3A_1 = arith.constant 128 : i32
    %mul3A_2 = arith.muli %add3A, %mul3A_1 : i32
    %mul3A_3 = arith.constant 129 : i32
    %mul3A_4 = arith.muli %arg1, %mul3A_3 : i32
    "tpu.region"() ({
      %run_scoped3A = tpu.sem_alloc : memref<!tpu.dma_semaphore, #tpu.memory_space<semaphore_mem>>
      %dma_start3A_231 = arith.constant 0 : i32
      %dma_start3A_232 = tpu.memref_slice %arg2[%dma_start3A_231, %mul3A_2] : memref<200x4096xi32, #tpu.memory_space<hbm>> -> memref<200x128xi32, #tpu.memory_space<hbm>>
      %dma_start3A_233 = arith.constant 0 : i32
      %dma_start3A_234 = tpu.memref_slice %arg2[%dma_start3A_233, %mul3A_2] : memref<200x4096xi32, #tpu.memory_space<hbm>> -> memref<200x128xi32, #tpu.memory_space<hbm>>
      tpu.enqueue_dma source(%dma_start3A_234 : memref<200x128xi32, #tpu.memory_space<hbm>>) target(%arg6 : memref<200x128xi32, #tpu.memory_space<vmem>>) target_semaphore(%run_scoped3A : memref<!tpu.dma_semaphore, #tpu.memory_space<semaphore_mem>>)
      %dma_wait3A_235 = arith.constant 0 : i32
      %dma_wait3A_236 = tpu.memref_slice %arg2[%dma_wait3A_235, %mul3A_2] : memref<200x4096xi32, #tpu.memory_space<hbm>> -> memref<200x128xi32, #tpu.memory_space<hbm>>
      %dma_wait3A_237 = arith.constant 0 : i32
      %dma_wait3A_238 = tpu.memref_slice %arg2[%dma_wait3A_237, %mul3A_2] : memref<200x4096xi32, #tpu.memory_space<hbm>> -> memref<200x128xi32, #tpu.memory_space<hbm>>
      tpu.wait_dma2 semaphore(%run_scoped3A : memref<!tpu.dma_semaphore, #tpu.memory_space<semaphore_mem>>) src(%dma_wait3A_238 : memref<200x128xi32, #tpu.memory_space<hbm>>) dst(%arg6 : memref<200x128xi32, #tpu.memory_space<vmem>>)
      tpu.yield
    }) : () -> ()
    "tpu.region"() ({
      %run_scoped3A = tpu.sem_alloc : memref<!tpu.dma_semaphore, #tpu.memory_space<semaphore_mem>>
      %dma_start3A_231 = arith.constant 0 : i32
      %dma_start3A_232 = tpu.memref_slice %arg3[%dma_start3A_231, %mul3A_2] : memref<200x4096xi32, #tpu.memory_space<hbm>> -> memref<200x128xi32, #tpu.memory_space<hbm>>
      %dma_start3A_233 = arith.constant 0 : i32
      %dma_start3A_234 = tpu.memref_slice %arg3[%dma_start3A_233, %mul3A_2] : memref<200x4096xi32, #tpu.memory_space<hbm>> -> memref<200x128xi32, #tpu.memory_space<hbm>>
      tpu.enqueue_dma source(%dma_start3A_234 : memref<200x128xi32, #tpu.memory_space<hbm>>) target(%arg7 : memref<200x128xi32, #tpu.memory_space<vmem>>) target_semaphore(%run_scoped3A : memref<!tpu.dma_semaphore, #tpu.memory_space<semaphore_mem>>)
      %dma_wait3A_235 = arith.constant 0 : i32
      %dma_wait3A_236 = tpu.memref_slice %arg3[%dma_wait3A_235, %mul3A_2] : memref<200x4096xi32, #tpu.memory_space<hbm>> -> memref<200x128xi32, #tpu.memory_space<hbm>>
      %dma_wait3A_237 = arith.constant 0 : i32
      %dma_wait3A_238 = tpu.memref_slice %arg3[%dma_wait3A_237, %mul3A_2] : memref<200x4096xi32, #tpu.memory_space<hbm>> -> memref<200x128xi32, #tpu.memory_space<hbm>>
      tpu.wait_dma2 semaphore(%run_scoped3A : memref<!tpu.dma_semaphore, #tpu.memory_space<semaphore_mem>>) src(%dma_wait3A_238 : memref<200x128xi32, #tpu.memory_space<hbm>>) dst(%arg7 : memref<200x128xi32, #tpu.memory_space<vmem>>)
      tpu.yield
    }) : () -> ()
    %broadcast_in_dim3A = arith.constant 0.000000e+00 : f32
    %broadcast_in_dim3A_5 = vector.broadcast %broadcast_in_dim3A : f32 to vector<16xf32>
    %scan3A = arith.constant 0 : i32
    %scan3A_6 = arith.constant 0 : i32
    %scan3A_7 = arith.constant 129 : i32
    %scan3A_8 = arith.addi %scan3A_6, %scan3A_7 : i32
    %scan3A_9 = arith.constant 1 : i32
    scf.for %scan3A_231 = %scan3A_6 to %scan3A_8 step %scan3A_9  : i32 {
      %swap3A_232 = arith.index_cast %scan3A_231 : i32 to index
      %swap3A_233 = arith.constant 0 : index
      %swap3A_234 = tpu.vector_load %arg12[%swap3A_232, %swap3A_233] {strides = array<i32>} : memref<129x64xf32, #tpu.memory_space<vmem>>, vector<16xf32>,
      tpu.vector_store %arg12[%swap3A_232, %swap3A_233], %broadcast_in_dim3A_5 {strides = array<i32>} : memref<129x64xf32, #tpu.memory_space<vmem>>, vector<16xf32>,
      %swap3A_235 = arith.index_cast %scan3A_231 : i32 to index
      %swap3A_236 = arith.constant 16 : index
      %swap3A_237 = tpu.vector_load %arg12[%swap3A_235, %swap3A_236] {strides = array<i32>} : memref<129x64xf32, #tpu.memory_space<vmem>>, vector<16xf32>,
      tpu.vector_store %arg12[%swap3A_235, %swap3A_236], %broadcast_in_dim3A_5 {strides = array<i32>} : memref<129x64xf32, #tpu.memory_space<vmem>>, vector<16xf32>,
      %swap3A_238 = arith.index_cast %scan3A_231 : i32 to index
      %swap3A_239 = arith.constant 32 : index
      %swap3A_240 = tpu.vector_load %arg12[%swap3A_238, %swap3A_239] {strides = array<i32>} : memref<129x64xf32, #tpu.memory_space<vmem>>, vector<16xf32>,
      tpu.vector_store %arg12[%swap3A_238, %swap3A_239], %broadcast_in_dim3A_5 {strides = array<i32>} : memref<129x64xf32, #tpu.memory_space<vmem>>, vector<16xf32>,
      %swap3A_241 = arith.index_cast %scan3A_231 : i32 to index
      %swap3A_242 = arith.constant 48 : index
      %swap3A_243 = tpu.vector_load %arg12[%swap3A_241, %swap3A_242] {strides = array<i32>} : memref<129x64xf32, #tpu.memory_space<vmem>>, vector<16xf32>,
      tpu.vector_store %arg12[%swap3A_241, %swap3A_242], %broadcast_in_dim3A_5 {strides = array<i32>} : memref<129x64xf32, #tpu.memory_space<vmem>>, vector<16xf32>,
    }
    %scan3A_10 = arith.constant 129 : i32
    "tpu.region"() ({
      %run_scoped3A = tpu.sem_alloc : memref<!tpu.dma_semaphore, #tpu.memory_space<semaphore_mem>>
      %dma_start3A_231 = arith.constant 0 : i32
      %dma_start3A_232 = tpu.memref_slice %arg14[%mul3A_4, %dma_start3A_231] : memref<2064x64xf32, #tpu.memory_space<vmem_shared>> -> memref<129x64xf32, #tpu.memory_space<vmem_shared>>
      %dma_start3A_233 = arith.constant 0 : i32
      %dma_start3A_234 = tpu.memref_slice %arg14[%mul3A_4, %dma_start3A_233] : memref<2064x64xf32, #tpu.memory_space<vmem_shared>> -> memref<129x64xf32, #tpu.memory_space<vmem_shared>>
      tpu.enqueue_dma source(%arg12 : memref<129x64xf32, #tpu.memory_space<vmem>>) target(%dma_start3A_234 : memref<129x64xf32, #tpu.memory_space<vmem_shared>>) target_semaphore(%run_scoped3A : memref<!tpu.dma_semaphore, #tpu.memory_space<semaphore_mem>>)
      %dma_wait3A_235 = arith.constant 0 : i32
      %dma_wait3A_236 = tpu.memref_slice %arg14[%mul3A_4, %dma_wait3A_235] : memref<2064x64xf32, #tpu.memory_space<vmem_shared>> -> memref<129x64xf32, #tpu.memory_space<vmem_shared>>
      %dma_wait3A_237 = arith.constant 0 : i32
      %dma_wait3A_238 = tpu.memref_slice %arg14[%mul3A_4, %dma_wait3A_237] : memref<2064x64xf32, #tpu.memory_space<vmem_shared>> -> memref<129x64xf32, #tpu.memory_space<vmem_shared>>
      tpu.wait_dma2 semaphore(%run_scoped3A : memref<!tpu.dma_semaphore, #tpu.memory_space<semaphore_mem>>) src(%arg12 : memref<129x64xf32, #tpu.memory_space<vmem>>) dst(%dma_wait3A_238 : memref<129x64xf32, #tpu.memory_space<vmem_shared>>)
      tpu.yield
    }) : () -> ()
    %iota3A = tpu.iota {dimensions = array<i32: 0>} : vector<16xi32>
    %iota3A_11 = tpu.iota {dimensions = array<i32: 0>} : vector<16xi32>
    %add3A_12 = arith.constant 16 : i32
    %add3A_13 = vector.broadcast %add3A_12 : i32 to vector<16xi32>
    %add3A_14 = arith.addi %add3A_13, %iota3A_11 : vector<16xi32>
    %iota3A_15 = tpu.iota {dimensions = array<i32: 0>} : vector<16xi32>
    %add3A_16 = arith.constant 32 : i32
    %add3A_17 = vector.broadcast %add3A_16 : i32 to vector<16xi32>
    %add3A_18 = arith.addi %add3A_17, %iota3A_15 : vector<16xi32>
    %iota3A_19 = tpu.iota {dimensions = array<i32: 0>} : vector<16xi32>
    %add3A_20 = arith.constant 48 : i32
    %add3A_21 = vector.broadcast %add3A_20 : i32 to vector<16xi32>
    %add3A_22 = arith.addi %add3A_21, %iota3A_19 : vector<16xi32>
    %iota3A_23 = tpu.iota {dimensions = array<i32: 0>} : vector<16xi32>
    %add3A_24 = arith.constant 64 : i32
    %add3A_25 = vector.broadcast %add3A_24 : i32 to vector<16xi32>
    %add3A_26 = arith.addi %add3A_25, %iota3A_23 : vector<16xi32>
    %iota3A_27 = tpu.iota {dimensions = array<i32: 0>} : vector<16xi32>
    %add3A_28 = arith.constant 80 : i32
    %add3A_29 = vector.broadcast %add3A_28 : i32 to vector<16xi32>
    %add3A_30 = arith.addi %add3A_29, %iota3A_27 : vector<16xi32>
    %iota3A_31 = tpu.iota {dimensions = array<i32: 0>} : vector<16xi32>
    %add3A_32 = arith.constant 96 : i32
    %add3A_33 = vector.broadcast %add3A_32 : i32 to vector<16xi32>
    %add3A_34 = arith.addi %add3A_33, %iota3A_31 : vector<16xi32>
    %iota3A_35 = tpu.iota {dimensions = array<i32: 0>} : vector<16xi32>
    %add3A_36 = arith.constant 112 : i32
    %add3A_37 = vector.broadcast %add3A_36 : i32 to vector<16xi32>
    %add3A_38 = arith.addi %add3A_37, %iota3A_35 : vector<16xi32>
    %broadcast_in_dim3A_39 = arith.constant 128 : i32
    %broadcast_in_dim3A_40 = vector.broadcast %broadcast_in_dim3A_39 : i32 to vector<16xi32>
    %broadcast_in_dim3A_41 = arith.constant 0 : i32
    %broadcast_in_dim3A_42 = vector.broadcast %broadcast_in_dim3A_41 : i32 to vector<16xi32>
    %broadcast_in_dim3A_43 = arith.constant 0 : i32
    %broadcast_in_dim3A_44 = vector.broadcast %broadcast_in_dim3A_43 : i32 to vector<16xi32>
    %broadcast_in_dim3A_45 = arith.constant 0 : i32
    %broadcast_in_dim3A_46 = vector.broadcast %broadcast_in_dim3A_45 : i32 to vector<16xi32>
    %broadcast_in_dim3A_47 = arith.constant 0 : i32
    %broadcast_in_dim3A_48 = vector.broadcast %broadcast_in_dim3A_47 : i32 to vector<16xi32>
    %broadcast_in_dim3A_49 = arith.constant 0 : i32
    %broadcast_in_dim3A_50 = vector.broadcast %broadcast_in_dim3A_49 : i32 to vector<16xi32>
    %broadcast_in_dim3A_51 = arith.constant 0 : i32
    %broadcast_in_dim3A_52 = vector.broadcast %broadcast_in_dim3A_51 : i32 to vector<16xi32>
    %broadcast_in_dim3A_53 = arith.constant 0 : i32
    %broadcast_in_dim3A_54 = vector.broadcast %broadcast_in_dim3A_53 : i32 to vector<16xi32>
    %broadcast_in_dim3A_55 = arith.constant 0 : i32
    %broadcast_in_dim3A_56 = vector.broadcast %broadcast_in_dim3A_55 : i32 to vector<16xi32>
    %scan3A_57 = arith.constant 0 : i32
    %scan3A_58 = arith.constant 200 : i32
    %scan3A_59 = arith.addi %scan3A_57, %scan3A_58 : i32
    %scan3A_60 = arith.constant 1 : i32
    %scan3A_61:8 = scf.for %scan3A_231 = %scan3A_57 to %scan3A_59 step %scan3A_60 iter_args(%scan3A_232 = %broadcast_in_dim3A_42, %scan3A_233 = %broadcast_in_dim3A_44, %scan3A_234 = %broadcast_in_dim3A_46, %scan3A_235 = %broadcast_in_dim3A_48, %scan3A_236 = %broadcast_in_dim3A_50, %scan3A_237 = %broadcast_in_dim3A_52, %scan3A_238 = %broadcast_in_dim3A_54, %scan3A_239 = %broadcast_in_dim3A_56) -> (vector<16xi32>, vector<16xi32>, vector<16xi32>, vector<16xi32>, vector<16xi32>, vector<16xi32>, vector<16xi32>, vector<16xi32>)  : i32 {
      %get3A = arith.index_cast %scan3A_231 : i32 to index
      %get3A_240 = arith.constant 0 : index
      %get3A_241 = tpu.vector_load %arg7[%get3A, %get3A_240] {strides = array<i32>} : memref<200x128xi32, #tpu.memory_space<vmem>>, vector<16xi32>,
      %ne3A = arith.constant 0 : i32
      %ne3A_242 = vector.broadcast %ne3A : i32 to vector<16xi32>
      %ne3A_243 = arith.cmpi ne, %get3A_241, %ne3A_242 : vector<16xi32>
      %select_n3A = arith.select %ne3A_243, %iota3A, %broadcast_in_dim3A_40 : vector<16xi1>, vector<16xi32>
      %add3A_244 = vector.broadcast %mul3A_4 : i32 to vector<16xi32>
      %add3A_245 = arith.addi %add3A_244, %select_n3A : vector<16xi32>
      %swap3A_246 = arith.index_cast %scan3A_231 : i32 to index
      %swap3A_247 = arith.constant 0 : index
      %swap3A_248 = tpu.vector_load %arg7[%swap3A_246, %swap3A_247] {strides = array<i32>} : memref<200x128xi32, #tpu.memory_space<vmem>>, vector<16xi32>,
      tpu.vector_store %arg7[%swap3A_246, %swap3A_247], %add3A_245 {strides = array<i32>} : memref<200x128xi32, #tpu.memory_space<vmem>>, vector<16xi32>,
      %get3A_249 = arith.index_cast %scan3A_231 : i32 to index
      %get3A_250 = arith.constant 0 : index
      %get3A_251 = tpu.vector_load %arg6[%get3A_249, %get3A_250] {strides = array<i32>} : memref<200x128xi32, #tpu.memory_space<vmem>>, vector<16xi32>,
      %mul3A_252 = arith.constant 2 : i32
      %mul3A_253 = vector.broadcast %mul3A_252 : i32 to vector<16xi32>
      %mul3A_254 = arith.muli %get3A_251, %mul3A_253 : vector<16xi32>
      %swap3A_255 = arith.index_cast %scan3A_231 : i32 to index
      %swap3A_256 = arith.constant 0 : index
      %swap3A_257 = tpu.vector_load %arg6[%swap3A_255, %swap3A_256] {strides = array<i32>} : memref<200x128xi32, #tpu.memory_space<vmem>>, vector<16xi32>,
      tpu.vector_store %arg6[%swap3A_255, %swap3A_256], %mul3A_254 {strides = array<i32>} : memref<200x128xi32, #tpu.memory_space<vmem>>, vector<16xi32>,
      %add3A_258 = arith.addi %scan3A_232, %get3A_241 : vector<16xi32>
      %get3A_259 = arith.index_cast %scan3A_231 : i32 to index
      %get3A_260 = arith.constant 16 : index
      %get3A_261 = tpu.vector_load %arg7[%get3A_259, %get3A_260] {strides = array<i32>} : memref<200x128xi32, #tpu.memory_space<vmem>>, vector<16xi32>,
      %ne3A_262 = arith.constant 0 : i32
      %ne3A_263 = vector.broadcast %ne3A_262 : i32 to vector<16xi32>
      %ne3A_264 = arith.cmpi ne, %get3A_261, %ne3A_263 : vector<16xi32>
      %select_n3A_265 = arith.select %ne3A_264, %add3A_14, %broadcast_in_dim3A_40 : vector<16xi1>, vector<16xi32>
      %add3A_266 = vector.broadcast %mul3A_4 : i32 to vector<16xi32>
      %add3A_267 = arith.addi %add3A_266, %select_n3A_265 : vector<16xi32>
      %swap3A_268 = arith.index_cast %scan3A_231 : i32 to index
      %swap3A_269 = arith.constant 16 : index
      %swap3A_270 = tpu.vector_load %arg7[%swap3A_268, %swap3A_269] {strides = array<i32>} : memref<200x128xi32, #tpu.memory_space<vmem>>, vector<16xi32>,
      tpu.vector_store %arg7[%swap3A_268, %swap3A_269], %add3A_267 {strides = array<i32>} : memref<200x128xi32, #tpu.memory_space<vmem>>, vector<16xi32>,
      %get3A_271 = arith.index_cast %scan3A_231 : i32 to index
      %get3A_272 = arith.constant 16 : index
      %get3A_273 = tpu.vector_load %arg6[%get3A_271, %get3A_272] {strides = array<i32>} : memref<200x128xi32, #tpu.memory_space<vmem>>, vector<16xi32>,
      %mul3A_274 = arith.constant 2 : i32
      %mul3A_275 = vector.broadcast %mul3A_274 : i32 to vector<16xi32>
      %mul3A_276 = arith.muli %get3A_273, %mul3A_275 : vector<16xi32>
      %swap3A_277 = arith.index_cast %scan3A_231 : i32 to index
      %swap3A_278 = arith.constant 16 : index
      %swap3A_279 = tpu.vector_load %arg6[%swap3A_277, %swap3A_278] {strides = array<i32>} : memref<200x128xi32, #tpu.memory_space<vmem>>, vector<16xi32>,
      tpu.vector_store %arg6[%swap3A_277, %swap3A_278], %mul3A_276 {strides = array<i32>} : memref<200x128xi32, #tpu.memory_space<vmem>>, vector<16xi32>,
      %add3A_280 = arith.addi %scan3A_233, %get3A_261 : vector<16xi32>
      %get3A_281 = arith.index_cast %scan3A_231 : i32 to index
      %get3A_282 = arith.constant 32 : index
      %get3A_283 = tpu.vector_load %arg7[%get3A_281, %get3A_282] {strides = array<i32>} : memref<200x128xi32, #tpu.memory_space<vmem>>, vector<16xi32>,
      %ne3A_284 = arith.constant 0 : i32
      %ne3A_285 = vector.broadcast %ne3A_284 : i32 to vector<16xi32>
      %ne3A_286 = arith.cmpi ne, %get3A_283, %ne3A_285 : vector<16xi32>
      %select_n3A_287 = arith.select %ne3A_286, %add3A_18, %broadcast_in_dim3A_40 : vector<16xi1>, vector<16xi32>
      %add3A_288 = vector.broadcast %mul3A_4 : i32 to vector<16xi32>
      %add3A_289 = arith.addi %add3A_288, %select_n3A_287 : vector<16xi32>
      %swap3A_290 = arith.index_cast %scan3A_231 : i32 to index
      %swap3A_291 = arith.constant 32 : index
      %swap3A_292 = tpu.vector_load %arg7[%swap3A_290, %swap3A_291] {strides = array<i32>} : memref<200x128xi32, #tpu.memory_space<vmem>>, vector<16xi32>,
      tpu.vector_store %arg7[%swap3A_290, %swap3A_291], %add3A_289 {strides = array<i32>} : memref<200x128xi32, #tpu.memory_space<vmem>>, vector<16xi32>,
      %get3A_293 = arith.index_cast %scan3A_231 : i32 to index
      %get3A_294 = arith.constant 32 : index
      %get3A_295 = tpu.vector_load %arg6[%get3A_293, %get3A_294] {strides = array<i32>} : memref<200x128xi32, #tpu.memory_space<vmem>>, vector<16xi32>,
      %mul3A_296 = arith.constant 2 : i32
      %mul3A_297 = vector.broadcast %mul3A_296 : i32 to vector<16xi32>
      %mul3A_298 = arith.muli %get3A_295, %mul3A_297 : vector<16xi32>
      %swap3A_299 = arith.index_cast %scan3A_231 : i32 to index
      %swap3A_300 = arith.constant 32 : index
      %swap3A_301 = tpu.vector_load %arg6[%swap3A_299, %swap3A_300] {strides = array<i32>} : memref<200x128xi32, #tpu.memory_space<vmem>>, vector<16xi32>,
      tpu.vector_store %arg6[%swap3A_299, %swap3A_300], %mul3A_298 {strides = array<i32>} : memref<200x128xi32, #tpu.memory_space<vmem>>, vector<16xi32>,
      %add3A_302 = arith.addi %scan3A_234, %get3A_283 : vector<16xi32>
      %get3A_303 = arith.index_cast %scan3A_231 : i32 to index
      %get3A_304 = arith.constant 48 : index
      %get3A_305 = tpu.vector_load %arg7[%get3A_303, %get3A_304] {strides = array<i32>} : memref<200x128xi32, #tpu.memory_space<vmem>>, vector<16xi32>,
      %ne3A_306 = arith.constant 0 : i32
      %ne3A_307 = vector.broadcast %ne3A_306 : i32 to vector<16xi32>
      %ne3A_308 = arith.cmpi ne, %get3A_305, %ne3A_307 : vector<16xi32>
      %select_n3A_309 = arith.select %ne3A_308, %add3A_22, %broadcast_in_dim3A_40 : vector<16xi1>, vector<16xi32>
      %add3A_310 = vector.broadcast %mul3A_4 : i32 to vector<16xi32>
      %add3A_311 = arith.addi %add3A_310, %select_n3A_309 : vector<16xi32>
      %swap3A_312 = arith.index_cast %scan3A_231 : i32 to index
      %swap3A_313 = arith.constant 48 : index
      %swap3A_314 = tpu.vector_load %arg7[%swap3A_312, %swap3A_313] {strides = array<i32>} : memref<200x128xi32, #tpu.memory_space<vmem>>, vector<16xi32>,
      tpu.vector_store %arg7[%swap3A_312, %swap3A_313], %add3A_311 {strides = array<i32>} : memref<200x128xi32, #tpu.memory_space<vmem>>, vector<16xi32>,
      %get3A_315 = arith.index_cast %scan3A_231 : i32 to index
      %get3A_316 = arith.constant 48 : index
      %get3A_317 = tpu.vector_load %arg6[%get3A_315, %get3A_316] {strides = array<i32>} : memref<200x128xi32, #tpu.memory_space<vmem>>, vector<16xi32>,
      %mul3A_318 = arith.constant 2 : i32
      %mul3A_319 = vector.broadcast %mul3A_318 : i32 to vector<16xi32>
      %mul3A_320 = arith.muli %get3A_317, %mul3A_319 : vector<16xi32>
      %swap3A_321 = arith.index_cast %scan3A_231 : i32 to index
      %swap3A_322 = arith.constant 48 : index
      %swap3A_323 = tpu.vector_load %arg6[%swap3A_321, %swap3A_322] {strides = array<i32>} : memref<200x128xi32, #tpu.memory_space<vmem>>, vector<16xi32>,
      tpu.vector_store %arg6[%swap3A_321, %swap3A_322], %mul3A_320 {strides = array<i32>} : memref<200x128xi32, #tpu.memory_space<vmem>>, vector<16xi32>,
      %add3A_324 = arith.addi %scan3A_235, %get3A_305 : vector<16xi32>
      %get3A_325 = arith.index_cast %scan3A_231 : i32 to index
      %get3A_326 = arith.constant 64 : index
      %get3A_327 = tpu.vector_load %arg7[%get3A_325, %get3A_326] {strides = array<i32>} : memref<200x128xi32, #tpu.memory_space<vmem>>, vector<16xi32>,
      %ne3A_328 = arith.constant 0 : i32
      %ne3A_329 = vector.broadcast %ne3A_328 : i32 to vector<16xi32>
      %ne3A_330 = arith.cmpi ne, %get3A_327, %ne3A_329 : vector<16xi32>
      %select_n3A_331 = arith.select %ne3A_330, %add3A_26, %broadcast_in_dim3A_40 : vector<16xi1>, vector<16xi32>
      %add3A_332 = vector.broadcast %mul3A_4 : i32 to vector<16xi32>
      %add3A_333 = arith.addi %add3A_332, %select_n3A_331 : vector<16xi32>
      %swap3A_334 = arith.index_cast %scan3A_231 : i32 to index
      %swap3A_335 = arith.constant 64 : index
      %swap3A_336 = tpu.vector_load %arg7[%swap3A_334, %swap3A_335] {strides = array<i32>} : memref<200x128xi32, #tpu.memory_space<vmem>>, vector<16xi32>,
      tpu.vector_store %arg7[%swap3A_334, %swap3A_335], %add3A_333 {strides = array<i32>} : memref<200x128xi32, #tpu.memory_space<vmem>>, vector<16xi32>,
      %get3A_337 = arith.index_cast %scan3A_231 : i32 to index
      %get3A_338 = arith.constant 64 : index
      %get3A_339 = tpu.vector_load %arg6[%get3A_337, %get3A_338] {strides = array<i32>} : memref<200x128xi32, #tpu.memory_space<vmem>>, vector<16xi32>,
      %mul3A_340 = arith.constant 2 : i32
      %mul3A_341 = vector.broadcast %mul3A_340 : i32 to vector<16xi32>
      %mul3A_342 = arith.muli %get3A_339, %mul3A_341 : vector<16xi32>
      %swap3A_343 = arith.index_cast %scan3A_231 : i32 to index
      %swap3A_344 = arith.constant 64 : index
      %swap3A_345 = tpu.vector_load %arg6[%swap3A_343, %swap3A_344] {strides = array<i32>} : memref<200x128xi32, #tpu.memory_space<vmem>>, vector<16xi32>,
      tpu.vector_store %arg6[%swap3A_343, %swap3A_344], %mul3A_342 {strides = array<i32>} : memref<200x128xi32, #tpu.memory_space<vmem>>, vector<16xi32>,
      %add3A_346 = arith.addi %scan3A_236, %get3A_327 : vector<16xi32>
      %get3A_347 = arith.index_cast %scan3A_231 : i32 to index
      %get3A_348 = arith.constant 80 : index
      %get3A_349 = tpu.vector_load %arg7[%get3A_347, %get3A_348] {strides = array<i32>} : memref<200x128xi32, #tpu.memory_space<vmem>>, vector<16xi32>,
      %ne3A_350 = arith.constant 0 : i32
      %ne3A_351 = vector.broadcast %ne3A_350 : i32 to vector<16xi32>
      %ne3A_352 = arith.cmpi ne, %get3A_349, %ne3A_351 : vector<16xi32>
      %select_n3A_353 = arith.select %ne3A_352, %add3A_30, %broadcast_in_dim3A_40 : vector<16xi1>, vector<16xi32>
      %add3A_354 = vector.broadcast %mul3A_4 : i32 to vector<16xi32>
      %add3A_355 = arith.addi %add3A_354, %select_n3A_353 : vector<16xi32>
      %swap3A_356 = arith.index_cast %scan3A_231 : i32 to index
      %swap3A_357 = arith.constant 80 : index
      %swap3A_358 = tpu.vector_load %arg7[%swap3A_356, %swap3A_357] {strides = array<i32>} : memref<200x128xi32, #tpu.memory_space<vmem>>, vector<16xi32>,
      tpu.vector_store %arg7[%swap3A_356, %swap3A_357], %add3A_355 {strides = array<i32>} : memref<200x128xi32, #tpu.memory_space<vmem>>, vector<16xi32>,
      %get3A_359 = arith.index_cast %scan3A_231 : i32 to index
      %get3A_360 = arith.constant 80 : index
      %get3A_361 = tpu.vector_load %arg6[%get3A_359, %get3A_360] {strides = array<i32>} : memref<200x128xi32, #tpu.memory_space<vmem>>, vector<16xi32>,
      %mul3A_362 = arith.constant 2 : i32
      %mul3A_363 = vector.broadcast %mul3A_362 : i32 to vector<16xi32>
      %mul3A_364 = arith.muli %get3A_361, %mul3A_363 : vector<16xi32>
      %swap3A_365 = arith.index_cast %scan3A_231 : i32 to index
      %swap3A_366 = arith.constant 80 : index
      %swap3A_367 = tpu.vector_load %arg6[%swap3A_365, %swap3A_366] {strides = array<i32>} : memref<200x128xi32, #tpu.memory_space<vmem>>, vector<16xi32>,
      tpu.vector_store %arg6[%swap3A_365, %swap3A_366], %mul3A_364 {strides = array<i32>} : memref<200x128xi32, #tpu.memory_space<vmem>>, vector<16xi32>,
      %add3A_368 = arith.addi %scan3A_237, %get3A_349 : vector<16xi32>
      %get3A_369 = arith.index_cast %scan3A_231 : i32 to index
      %get3A_370 = arith.constant 96 : index
      %get3A_371 = tpu.vector_load %arg7[%get3A_369, %get3A_370] {strides = array<i32>} : memref<200x128xi32, #tpu.memory_space<vmem>>, vector<16xi32>,
      %ne3A_372 = arith.constant 0 : i32
      %ne3A_373 = vector.broadcast %ne3A_372 : i32 to vector<16xi32>
      %ne3A_374 = arith.cmpi ne, %get3A_371, %ne3A_373 : vector<16xi32>
      %select_n3A_375 = arith.select %ne3A_374, %add3A_34, %broadcast_in_dim3A_40 : vector<16xi1>, vector<16xi32>
      %add3A_376 = vector.broadcast %mul3A_4 : i32 to vector<16xi32>
      %add3A_377 = arith.addi %add3A_376, %select_n3A_375 : vector<16xi32>
      %swap3A_378 = arith.index_cast %scan3A_231 : i32 to index
      %swap3A_379 = arith.constant 96 : index
      %swap3A_380 = tpu.vector_load %arg7[%swap3A_378, %swap3A_379] {strides = array<i32>} : memref<200x128xi32, #tpu.memory_space<vmem>>, vector<16xi32>,
      tpu.vector_store %arg7[%swap3A_378, %swap3A_379], %add3A_377 {strides = array<i32>} : memref<200x128xi32, #tpu.memory_space<vmem>>, vector<16xi32>,
      %get3A_381 = arith.index_cast %scan3A_231 : i32 to index
      %get3A_382 = arith.constant 96 : index
      %get3A_383 = tpu.vector_load %arg6[%get3A_381, %get3A_382] {strides = array<i32>} : memref<200x128xi32, #tpu.memory_space<vmem>>, vector<16xi32>,
      %mul3A_384 = arith.constant 2 : i32
      %mul3A_385 = vector.broadcast %mul3A_384 : i32 to vector<16xi32>
      %mul3A_386 = arith.muli %get3A_383, %mul3A_385 : vector<16xi32>
      %swap3A_387 = arith.index_cast %scan3A_231 : i32 to index
      %swap3A_388 = arith.constant 96 : index
      %swap3A_389 = tpu.vector_load %arg6[%swap3A_387, %swap3A_388] {strides = array<i32>} : memref<200x128xi32, #tpu.memory_space<vmem>>, vector<16xi32>,
      tpu.vector_store %arg6[%swap3A_387, %swap3A_388], %mul3A_386 {strides = array<i32>} : memref<200x128xi32, #tpu.memory_space<vmem>>, vector<16xi32>,
      %add3A_390 = arith.addi %scan3A_238, %get3A_371 : vector<16xi32>
      %get3A_391 = arith.index_cast %scan3A_231 : i32 to index
      %get3A_392 = arith.constant 112 : index
      %get3A_393 = tpu.vector_load %arg7[%get3A_391, %get3A_392] {strides = array<i32>} : memref<200x128xi32, #tpu.memory_space<vmem>>, vector<16xi32>,
      %ne3A_394 = arith.constant 0 : i32
      %ne3A_395 = vector.broadcast %ne3A_394 : i32 to vector<16xi32>
      %ne3A_396 = arith.cmpi ne, %get3A_393, %ne3A_395 : vector<16xi32>
      %select_n3A_397 = arith.select %ne3A_396, %add3A_38, %broadcast_in_dim3A_40 : vector<16xi1>, vector<16xi32>
      %add3A_398 = vector.broadcast %mul3A_4 : i32 to vector<16xi32>
      %add3A_399 = arith.addi %add3A_398, %select_n3A_397 : vector<16xi32>
      %swap3A_400 = arith.index_cast %scan3A_231 : i32 to index
      %swap3A_401 = arith.constant 112 : index
      %swap3A_402 = tpu.vector_load %arg7[%swap3A_400, %swap3A_401] {strides = array<i32>} : memref<200x128xi32, #tpu.memory_space<vmem>>, vector<16xi32>,
      tpu.vector_store %arg7[%swap3A_400, %swap3A_401], %add3A_399 {strides = array<i32>} : memref<200x128xi32, #tpu.memory_space<vmem>>, vector<16xi32>,
      %get3A_403 = arith.index_cast %scan3A_231 : i32 to index
      %get3A_404 = arith.constant 112 : index
      %get3A_405 = tpu.vector_load %arg6[%get3A_403, %get3A_404] {strides = array<i32>} : memref<200x128xi32, #tpu.memory_space<vmem>>, vector<16xi32>,
      %mul3A_406 = arith.constant 2 : i32
      %mul3A_407 = vector.broadcast %mul3A_406 : i32 to vector<16xi32>
      %mul3A_408 = arith.muli %get3A_405, %mul3A_407 : vector<16xi32>
      %swap3A_409 = arith.index_cast %scan3A_231 : i32 to index
      %swap3A_410 = arith.constant 112 : index
      %swap3A_411 = tpu.vector_load %arg6[%swap3A_409, %swap3A_410] {strides = array<i32>} : memref<200x128xi32, #tpu.memory_space<vmem>>, vector<16xi32>,
      tpu.vector_store %arg6[%swap3A_409, %swap3A_410], %mul3A_408 {strides = array<i32>} : memref<200x128xi32, #tpu.memory_space<vmem>>, vector<16xi32>,
      %add3A_412 = arith.addi %scan3A_239, %get3A_393 : vector<16xi32>
      scf.yield %add3A_258, %add3A_280, %add3A_302, %add3A_324, %add3A_346, %add3A_368, %add3A_390, %add3A_412 : vector<16xi32>, vector<16xi32>, vector<16xi32>, vector<16xi32>, vector<16xi32>, vector<16xi32>, vector<16xi32>, vector<16xi32>
    }
    %scan3A_62 = arith.constant 200 : i32
    %convert_element_type3A = arith.sitofp %scan3A_61#0 : vector<16xi32> to vector<16xf32>
    %div3A = arith.constant 1.000000e+00 : f32
    %div3A_63 = vector.broadcast %div3A : f32 to vector<16xf32>
    %div3A_64 = arith.divf %div3A_63, %convert_element_type3A : vector<16xf32>
    %swap3A = arith.constant 0 : index
    %swap3A_65 = tpu.vector_load %arg13[%swap3A] {strides = array<i32>} : memref<128xf32, #tpu.memory_space<vmem>>, vector<16xf32>,
    tpu.vector_store %arg13[%swap3A], %div3A_64 {strides = array<i32>} : memref<128xf32, #tpu.memory_space<vmem>>, vector<16xf32>,
    %convert_element_type3A_66 = arith.sitofp %scan3A_61#1 : vector<16xi32> to vector<16xf32>
    %div3A_67 = arith.constant 1.000000e+00 : f32
    %div3A_68 = vector.broadcast %div3A_67 : f32 to vector<16xf32>
    %div3A_69 = arith.divf %div3A_68, %convert_element_type3A_66 : vector<16xf32>
    %swap3A_70 = arith.constant 16 : index
    %swap3A_71 = tpu.vector_load %arg13[%swap3A_70] {strides = array<i32>} : memref<128xf32, #tpu.memory_space<vmem>>, vector<16xf32>,
    tpu.vector_store %arg13[%swap3A_70], %div3A_69 {strides = array<i32>} : memref<128xf32, #tpu.memory_space<vmem>>, vector<16xf32>,
    %convert_element_type3A_72 = arith.sitofp %scan3A_61#2 : vector<16xi32> to vector<16xf32>
    %div3A_73 = arith.constant 1.000000e+00 : f32
    %div3A_74 = vector.broadcast %div3A_73 : f32 to vector<16xf32>
    %div3A_75 = arith.divf %div3A_74, %convert_element_type3A_72 : vector<16xf32>
    %swap3A_76 = arith.constant 32 : index
    %swap3A_77 = tpu.vector_load %arg13[%swap3A_76] {strides = array<i32>} : memref<128xf32, #tpu.memory_space<vmem>>, vector<16xf32>,
    tpu.vector_store %arg13[%swap3A_76], %div3A_75 {strides = array<i32>} : memref<128xf32, #tpu.memory_space<vmem>>, vector<16xf32>,
    %convert_element_type3A_78 = arith.sitofp %scan3A_61#3 : vector<16xi32> to vector<16xf32>
    %div3A_79 = arith.constant 1.000000e+00 : f32
    %div3A_80 = vector.broadcast %div3A_79 : f32 to vector<16xf32>
    %div3A_81 = arith.divf %div3A_80, %convert_element_type3A_78 : vector<16xf32>
    %swap3A_82 = arith.constant 48 : index
    %swap3A_83 = tpu.vector_load %arg13[%swap3A_82] {strides = array<i32>} : memref<128xf32, #tpu.memory_space<vmem>>, vector<16xf32>,
    tpu.vector_store %arg13[%swap3A_82], %div3A_81 {strides = array<i32>} : memref<128xf32, #tpu.memory_space<vmem>>, vector<16xf32>,
    %convert_element_type3A_84 = arith.sitofp %scan3A_61#4 : vector<16xi32> to vector<16xf32>
    %div3A_85 = arith.constant 1.000000e+00 : f32
    %div3A_86 = vector.broadcast %div3A_85 : f32 to vector<16xf32>
    %div3A_87 = arith.divf %div3A_86, %convert_element_type3A_84 : vector<16xf32>
    %swap3A_88 = arith.constant 64 : index
    %swap3A_89 = tpu.vector_load %arg13[%swap3A_88] {strides = array<i32>} : memref<128xf32, #tpu.memory_space<vmem>>, vector<16xf32>,
    tpu.vector_store %arg13[%swap3A_88], %div3A_87 {strides = array<i32>} : memref<128xf32, #tpu.memory_space<vmem>>, vector<16xf32>,
    %convert_element_type3A_90 = arith.sitofp %scan3A_61#5 : vector<16xi32> to vector<16xf32>
    %div3A_91 = arith.constant 1.000000e+00 : f32
    %div3A_92 = vector.broadcast %div3A_91 : f32 to vector<16xf32>
    %div3A_93 = arith.divf %div3A_92, %convert_element_type3A_90 : vector<16xf32>
    %swap3A_94 = arith.constant 80 : index
    %swap3A_95 = tpu.vector_load %arg13[%swap3A_94] {strides = array<i32>} : memref<128xf32, #tpu.memory_space<vmem>>, vector<16xf32>,
    tpu.vector_store %arg13[%swap3A_94], %div3A_93 {strides = array<i32>} : memref<128xf32, #tpu.memory_space<vmem>>, vector<16xf32>,
    %convert_element_type3A_96 = arith.sitofp %scan3A_61#6 : vector<16xi32> to vector<16xf32>
    %div3A_97 = arith.constant 1.000000e+00 : f32
    %div3A_98 = vector.broadcast %div3A_97 : f32 to vector<16xf32>
    %div3A_99 = arith.divf %div3A_98, %convert_element_type3A_96 : vector<16xf32>
    %swap3A_100 = arith.constant 96 : index
    %swap3A_101 = tpu.vector_load %arg13[%swap3A_100] {strides = array<i32>} : memref<128xf32, #tpu.memory_space<vmem>>, vector<16xf32>,
    tpu.vector_store %arg13[%swap3A_100], %div3A_99 {strides = array<i32>} : memref<128xf32, #tpu.memory_space<vmem>>, vector<16xf32>,
    %convert_element_type3A_102 = arith.sitofp %scan3A_61#7 : vector<16xi32> to vector<16xf32>
    %div3A_103 = arith.constant 1.000000e+00 : f32
    %div3A_104 = vector.broadcast %div3A_103 : f32 to vector<16xf32>
    %div3A_105 = arith.divf %div3A_104, %convert_element_type3A_102 : vector<16xf32>
    %swap3A_106 = arith.constant 112 : index
    %swap3A_107 = tpu.vector_load %arg13[%swap3A_106] {strides = array<i32>} : memref<128xf32, #tpu.memory_space<vmem>>, vector<16xf32>,
    tpu.vector_store %arg13[%swap3A_106], %div3A_105 {strides = array<i32>} : memref<128xf32, #tpu.memory_space<vmem>>, vector<16xf32>,
    %dma_start3A = arith.constant 0 : i32
    %dma_start3A_108 = arith.constant 0 : i32
    %dma_start3A_109 = tpu.memref_slice %arg6[%dma_start3A, %dma_start3A_108] : memref<200x128xi32, #tpu.memory_space<vmem>> -> memref<1x128xi32, #tpu.memory_space<vmem>>
    %dma_start3A_110 = tpu.memref_squeeze %dma_start3A_109 : memref<1x128xi32, #tpu.memory_space<vmem>> -> memref<128xi32, #tpu.memory_space<vmem>>
    %dma_start3A_111 = arith.constant 0 : i32
    %dma_start3A_112 = arith.constant 0 : i32
    %dma_start3A_113 = tpu.memref_slice %arg4[%dma_start3A_111, %dma_start3A_112] : memref<2000000x64xf32, #tpu.memory_space<hbm>> -> memref<2000000x64xf32, #tpu.memory_space<hbm>>
    tpu.enqueue_indirect_dma source(%dma_start3A_113 : memref<2000000x64xf32, #tpu.memory_space<hbm>>) target(%arg8 : memref<128x64xf32, #tpu.memory_space<vmem>>) offsets(%dma_start3A_110 : memref<128xi32, #tpu.memory_space<vmem>>) semaphore(%arg15 : memref<!tpu.dma_semaphore, #tpu.memory_space<semaphore_mem>>)
    %dma_start3A_114 = arith.constant 1 : i32
    %dma_start3A_115 = arith.constant 0 : i32
    %dma_start3A_116 = tpu.memref_slice %arg6[%dma_start3A_114, %dma_start3A_115] : memref<200x128xi32, #tpu.memory_space<vmem>> -> memref<1x128xi32, #tpu.memory_space<vmem>>
    %dma_start3A_117 = tpu.memref_squeeze %dma_start3A_116 : memref<1x128xi32, #tpu.memory_space<vmem>> -> memref<128xi32, #tpu.memory_space<vmem>>
    %dma_start3A_118 = arith.constant 0 : i32
    %dma_start3A_119 = arith.constant 0 : i32
    %dma_start3A_120 = tpu.memref_slice %arg4[%dma_start3A_118, %dma_start3A_119] : memref<2000000x64xf32, #tpu.memory_space<hbm>> -> memref<2000000x64xf32, #tpu.memory_space<hbm>>
    tpu.enqueue_indirect_dma source(%dma_start3A_120 : memref<2000000x64xf32, #tpu.memory_space<hbm>>) target(%arg9 : memref<128x64xf32, #tpu.memory_space<vmem>>) offsets(%dma_start3A_117 : memref<128xi32, #tpu.memory_space<vmem>>) semaphore(%arg16 : memref<!tpu.dma_semaphore, #tpu.memory_space<semaphore_mem>>)
    %dma_start3A_121 = arith.constant 2 : i32
    %dma_start3A_122 = arith.constant 0 : i32
    %dma_start3A_123 = tpu.memref_slice %arg6[%dma_start3A_121, %dma_start3A_122] : memref<200x128xi32, #tpu.memory_space<vmem>> -> memref<1x128xi32, #tpu.memory_space<vmem>>
    %dma_start3A_124 = tpu.memref_squeeze %dma_start3A_123 : memref<1x128xi32, #tpu.memory_space<vmem>> -> memref<128xi32, #tpu.memory_space<vmem>>
    %dma_start3A_125 = arith.constant 0 : i32
    %dma_start3A_126 = arith.constant 0 : i32
    %dma_start3A_127 = tpu.memref_slice %arg4[%dma_start3A_125, %dma_start3A_126] : memref<2000000x64xf32, #tpu.memory_space<hbm>> -> memref<2000000x64xf32, #tpu.memory_space<hbm>>
    tpu.enqueue_indirect_dma source(%dma_start3A_127 : memref<2000000x64xf32, #tpu.memory_space<hbm>>) target(%arg10 : memref<128x64xf32, #tpu.memory_space<vmem>>) offsets(%dma_start3A_124 : memref<128xi32, #tpu.memory_space<vmem>>) semaphore(%arg17 : memref<!tpu.dma_semaphore, #tpu.memory_space<semaphore_mem>>)
    %dma_start3A_128 = arith.constant 3 : i32
    %dma_start3A_129 = arith.constant 0 : i32
    %dma_start3A_130 = tpu.memref_slice %arg6[%dma_start3A_128, %dma_start3A_129] : memref<200x128xi32, #tpu.memory_space<vmem>> -> memref<1x128xi32, #tpu.memory_space<vmem>>
    %dma_start3A_131 = tpu.memref_squeeze %dma_start3A_130 : memref<1x128xi32, #tpu.memory_space<vmem>> -> memref<128xi32, #tpu.memory_space<vmem>>
    %dma_start3A_132 = arith.constant 0 : i32
    %dma_start3A_133 = arith.constant 0 : i32
    %dma_start3A_134 = tpu.memref_slice %arg4[%dma_start3A_132, %dma_start3A_133] : memref<2000000x64xf32, #tpu.memory_space<hbm>> -> memref<2000000x64xf32, #tpu.memory_space<hbm>>
    tpu.enqueue_indirect_dma source(%dma_start3A_134 : memref<2000000x64xf32, #tpu.memory_space<hbm>>) target(%arg11 : memref<128x64xf32, #tpu.memory_space<vmem>>) offsets(%dma_start3A_131 : memref<128xi32, #tpu.memory_space<vmem>>) semaphore(%arg18 : memref<!tpu.dma_semaphore, #tpu.memory_space<semaphore_mem>>)
    %scan3A_135 = arith.constant 0 : i32
    %scan3A_136 = arith.constant 0 : i32
    %scan3A_137 = arith.constant 49 : i32
    %scan3A_138 = arith.addi %scan3A_136, %scan3A_137 : i32
    %scan3A_139 = arith.constant 1 : i32
    scf.for %scan3A_231 = %scan3A_136 to %scan3A_138 step %scan3A_139  : i32 {
      %mul3A_232 = arith.constant 4 : i32
      %mul3A_233 = arith.muli %scan3A_231, %mul3A_232 : i32
      %add3A_234 = arith.constant 0 : i32
      %add3A_235 = arith.addi %mul3A_233, %add3A_234 : i32
      %dma_wait3A_236 = arith.constant 0 : i32
      %dma_wait3A_237 = tpu.memref_slice %arg6[%add3A_235, %dma_wait3A_236] : memref<200x128xi32, #tpu.memory_space<vmem>> -> memref<1x128xi32, #tpu.memory_space<vmem>>
      %dma_wait3A_238 = tpu.memref_squeeze %dma_wait3A_237 : memref<1x128xi32, #tpu.memory_space<vmem>> -> memref<128xi32, #tpu.memory_space<vmem>>
      %dma_wait3A_239 = arith.constant 0 : i32
      %dma_wait3A_240 = arith.constant 0 : i32
      %dma_wait3A_241 = tpu.memref_slice %arg4[%dma_wait3A_239, %dma_wait3A_240] : memref<2000000x64xf32, #tpu.memory_space<hbm>> -> memref<2000000x64xf32, #tpu.memory_space<hbm>>
      tpu.wait_indirect_dma semaphore(%arg15 : memref<!tpu.dma_semaphore, #tpu.memory_space<semaphore_mem>>) src(%dma_wait3A_241 : memref<2000000x64xf32, #tpu.memory_space<hbm>>) dst(%arg8 : memref<128x64xf32, #tpu.memory_space<vmem>>)
      %dma_start3A_242 = arith.constant 0 : i32
      %dma_start3A_243 = tpu.memref_slice %arg7[%add3A_235, %dma_start3A_242] : memref<200x128xi32, #tpu.memory_space<vmem>> -> memref<1x128xi32, #tpu.memory_space<vmem>>
      %dma_start3A_244 = tpu.memref_squeeze %dma_start3A_243 : memref<1x128xi32, #tpu.memory_space<vmem>> -> memref<128xi32, #tpu.memory_space<vmem>>
      %dma_start3A_245 = arith.constant 0 : i32
      %dma_start3A_246 = arith.constant 0 : i32
      %dma_start3A_247 = tpu.memref_slice %arg14[%dma_start3A_245, %dma_start3A_246] : memref<2064x64xf32, #tpu.memory_space<vmem_shared>> -> memref<2064x64xf32, #tpu.memory_space<vmem_shared>>
      tpu.enqueue_indirect_dma source(%arg8 : memref<128x64xf32, #tpu.memory_space<vmem>>) target(%dma_start3A_247 : memref<2064x64xf32, #tpu.memory_space<vmem_shared>>) offsets(%dma_start3A_244 : memref<128xi32, #tpu.memory_space<vmem>>) semaphore(%arg19 : memref<!tpu.dma_semaphore, #tpu.memory_space<semaphore_mem>>) {add = true}
      %dma_wait3A_248 = arith.constant 0 : i32
      %dma_wait3A_249 = tpu.memref_slice %arg7[%add3A_235, %dma_wait3A_248] : memref<200x128xi32, #tpu.memory_space<vmem>> -> memref<1x128xi32, #tpu.memory_space<vmem>>
      %dma_wait3A_250 = tpu.memref_squeeze %dma_wait3A_249 : memref<1x128xi32, #tpu.memory_space<vmem>> -> memref<128xi32, #tpu.memory_space<vmem>>
      %dma_wait3A_251 = arith.constant 0 : i32
      %dma_wait3A_252 = arith.constant 0 : i32
      %dma_wait3A_253 = tpu.memref_slice %arg14[%dma_wait3A_251, %dma_wait3A_252] : memref<2064x64xf32, #tpu.memory_space<vmem_shared>> -> memref<2064x64xf32, #tpu.memory_space<vmem_shared>>
      tpu.wait_indirect_dma semaphore(%arg19 : memref<!tpu.dma_semaphore, #tpu.memory_space<semaphore_mem>>) src(%arg8 : memref<128x64xf32, #tpu.memory_space<vmem>>) dst(%dma_wait3A_253 : memref<2064x64xf32, #tpu.memory_space<vmem_shared>>)
      %add3A_254 = arith.constant 4 : i32
      %add3A_255 = arith.addi %add3A_235, %add3A_254 : i32
      %dma_start3A_256 = arith.constant 0 : i32
      %dma_start3A_257 = tpu.memref_slice %arg6[%add3A_255, %dma_start3A_256] : memref<200x128xi32, #tpu.memory_space<vmem>> -> memref<1x128xi32, #tpu.memory_space<vmem>>
      %dma_start3A_258 = tpu.memref_squeeze %dma_start3A_257 : memref<1x128xi32, #tpu.memory_space<vmem>> -> memref<128xi32, #tpu.memory_space<vmem>>
      %dma_start3A_259 = arith.constant 0 : i32
      %dma_start3A_260 = arith.constant 0 : i32
      %dma_start3A_261 = tpu.memref_slice %arg4[%dma_start3A_259, %dma_start3A_260] : memref<2000000x64xf32, #tpu.memory_space<hbm>> -> memref<2000000x64xf32, #tpu.memory_space<hbm>>
      tpu.enqueue_indirect_dma source(%dma_start3A_261 : memref<2000000x64xf32, #tpu.memory_space<hbm>>) target(%arg8 : memref<128x64xf32, #tpu.memory_space<vmem>>) offsets(%dma_start3A_258 : memref<128xi32, #tpu.memory_space<vmem>>) semaphore(%arg15 : memref<!tpu.dma_semaphore, #tpu.memory_space<semaphore_mem>>)
      %mul3A_262 = arith.constant 4 : i32
      %mul3A_263 = arith.muli %scan3A_231, %mul3A_262 : i32
      %add3A_264 = arith.constant 1 : i32
      %add3A_265 = arith.addi %mul3A_263, %add3A_264 : i32
      %dma_wait3A_266 = arith.constant 0 : i32
      %dma_wait3A_267 = tpu.memref_slice %arg6[%add3A_265, %dma_wait3A_266] : memref<200x128xi32, #tpu.memory_space<vmem>> -> memref<1x128xi32, #tpu.memory_space<vmem>>
      %dma_wait3A_268 = tpu.memref_squeeze %dma_wait3A_267 : memref<1x128xi32, #tpu.memory_space<vmem>> -> memref<128xi32, #tpu.memory_space<vmem>>
      %dma_wait3A_269 = arith.constant 0 : i32
      %dma_wait3A_270 = arith.constant 0 : i32
      %dma_wait3A_271 = tpu.memref_slice %arg4[%dma_wait3A_269, %dma_wait3A_270] : memref<2000000x64xf32, #tpu.memory_space<hbm>> -> memref<2000000x64xf32, #tpu.memory_space<hbm>>
      tpu.wait_indirect_dma semaphore(%arg16 : memref<!tpu.dma_semaphore, #tpu.memory_space<semaphore_mem>>) src(%dma_wait3A_271 : memref<2000000x64xf32, #tpu.memory_space<hbm>>) dst(%arg9 : memref<128x64xf32, #tpu.memory_space<vmem>>)
      %dma_start3A_272 = arith.constant 0 : i32
      %dma_start3A_273 = tpu.memref_slice %arg7[%add3A_265, %dma_start3A_272] : memref<200x128xi32, #tpu.memory_space<vmem>> -> memref<1x128xi32, #tpu.memory_space<vmem>>
      %dma_start3A_274 = tpu.memref_squeeze %dma_start3A_273 : memref<1x128xi32, #tpu.memory_space<vmem>> -> memref<128xi32, #tpu.memory_space<vmem>>
      %dma_start3A_275 = arith.constant 0 : i32
      %dma_start3A_276 = arith.constant 0 : i32
      %dma_start3A_277 = tpu.memref_slice %arg14[%dma_start3A_275, %dma_start3A_276] : memref<2064x64xf32, #tpu.memory_space<vmem_shared>> -> memref<2064x64xf32, #tpu.memory_space<vmem_shared>>
      tpu.enqueue_indirect_dma source(%arg9 : memref<128x64xf32, #tpu.memory_space<vmem>>) target(%dma_start3A_277 : memref<2064x64xf32, #tpu.memory_space<vmem_shared>>) offsets(%dma_start3A_274 : memref<128xi32, #tpu.memory_space<vmem>>) semaphore(%arg20 : memref<!tpu.dma_semaphore, #tpu.memory_space<semaphore_mem>>) {add = true}
      %dma_wait3A_278 = arith.constant 0 : i32
      %dma_wait3A_279 = tpu.memref_slice %arg7[%add3A_265, %dma_wait3A_278] : memref<200x128xi32, #tpu.memory_space<vmem>> -> memref<1x128xi32, #tpu.memory_space<vmem>>
      %dma_wait3A_280 = tpu.memref_squeeze %dma_wait3A_279 : memref<1x128xi32, #tpu.memory_space<vmem>> -> memref<128xi32, #tpu.memory_space<vmem>>
      %dma_wait3A_281 = arith.constant 0 : i32
      %dma_wait3A_282 = arith.constant 0 : i32
      %dma_wait3A_283 = tpu.memref_slice %arg14[%dma_wait3A_281, %dma_wait3A_282] : memref<2064x64xf32, #tpu.memory_space<vmem_shared>> -> memref<2064x64xf32, #tpu.memory_space<vmem_shared>>
      tpu.wait_indirect_dma semaphore(%arg20 : memref<!tpu.dma_semaphore, #tpu.memory_space<semaphore_mem>>) src(%arg9 : memref<128x64xf32, #tpu.memory_space<vmem>>) dst(%dma_wait3A_283 : memref<2064x64xf32, #tpu.memory_space<vmem_shared>>)
      %add3A_284 = arith.constant 4 : i32
      %add3A_285 = arith.addi %add3A_265, %add3A_284 : i32
      %dma_start3A_286 = arith.constant 0 : i32
      %dma_start3A_287 = tpu.memref_slice %arg6[%add3A_285, %dma_start3A_286] : memref<200x128xi32, #tpu.memory_space<vmem>> -> memref<1x128xi32, #tpu.memory_space<vmem>>
      %dma_start3A_288 = tpu.memref_squeeze %dma_start3A_287 : memref<1x128xi32, #tpu.memory_space<vmem>> -> memref<128xi32, #tpu.memory_space<vmem>>
      %dma_start3A_289 = arith.constant 0 : i32
      %dma_start3A_290 = arith.constant 0 : i32
      %dma_start3A_291 = tpu.memref_slice %arg4[%dma_start3A_289, %dma_start3A_290] : memref<2000000x64xf32, #tpu.memory_space<hbm>> -> memref<2000000x64xf32, #tpu.memory_space<hbm>>
      tpu.enqueue_indirect_dma source(%dma_start3A_291 : memref<2000000x64xf32, #tpu.memory_space<hbm>>) target(%arg9 : memref<128x64xf32, #tpu.memory_space<vmem>>) offsets(%dma_start3A_288 : memref<128xi32, #tpu.memory_space<vmem>>) semaphore(%arg16 : memref<!tpu.dma_semaphore, #tpu.memory_space<semaphore_mem>>)
      %mul3A_292 = arith.constant 4 : i32
      %mul3A_293 = arith.muli %scan3A_231, %mul3A_292 : i32
      %add3A_294 = arith.constant 2 : i32
      %add3A_295 = arith.addi %mul3A_293, %add3A_294 : i32
      %dma_wait3A_296 = arith.constant 0 : i32
      %dma_wait3A_297 = tpu.memref_slice %arg6[%add3A_295, %dma_wait3A_296] : memref<200x128xi32, #tpu.memory_space<vmem>> -> memref<1x128xi32, #tpu.memory_space<vmem>>
      %dma_wait3A_298 = tpu.memref_squeeze %dma_wait3A_297 : memref<1x128xi32, #tpu.memory_space<vmem>> -> memref<128xi32, #tpu.memory_space<vmem>>
      %dma_wait3A_299 = arith.constant 0 : i32
      %dma_wait3A_300 = arith.constant 0 : i32
      %dma_wait3A_301 = tpu.memref_slice %arg4[%dma_wait3A_299, %dma_wait3A_300] : memref<2000000x64xf32, #tpu.memory_space<hbm>> -> memref<2000000x64xf32, #tpu.memory_space<hbm>>
      tpu.wait_indirect_dma semaphore(%arg17 : memref<!tpu.dma_semaphore, #tpu.memory_space<semaphore_mem>>) src(%dma_wait3A_301 : memref<2000000x64xf32, #tpu.memory_space<hbm>>) dst(%arg10 : memref<128x64xf32, #tpu.memory_space<vmem>>)
      %dma_start3A_302 = arith.constant 0 : i32
      %dma_start3A_303 = tpu.memref_slice %arg7[%add3A_295, %dma_start3A_302] : memref<200x128xi32, #tpu.memory_space<vmem>> -> memref<1x128xi32, #tpu.memory_space<vmem>>
      %dma_start3A_304 = tpu.memref_squeeze %dma_start3A_303 : memref<1x128xi32, #tpu.memory_space<vmem>> -> memref<128xi32, #tpu.memory_space<vmem>>
      %dma_start3A_305 = arith.constant 0 : i32
      %dma_start3A_306 = arith.constant 0 : i32
      %dma_start3A_307 = tpu.memref_slice %arg14[%dma_start3A_305, %dma_start3A_306] : memref<2064x64xf32, #tpu.memory_space<vmem_shared>> -> memref<2064x64xf32, #tpu.memory_space<vmem_shared>>
      tpu.enqueue_indirect_dma source(%arg10 : memref<128x64xf32, #tpu.memory_space<vmem>>) target(%dma_start3A_307 : memref<2064x64xf32, #tpu.memory_space<vmem_shared>>) offsets(%dma_start3A_304 : memref<128xi32, #tpu.memory_space<vmem>>) semaphore(%arg21 : memref<!tpu.dma_semaphore, #tpu.memory_space<semaphore_mem>>) {add = true}
      %dma_wait3A_308 = arith.constant 0 : i32
      %dma_wait3A_309 = tpu.memref_slice %arg7[%add3A_295, %dma_wait3A_308] : memref<200x128xi32, #tpu.memory_space<vmem>> -> memref<1x128xi32, #tpu.memory_space<vmem>>
      %dma_wait3A_310 = tpu.memref_squeeze %dma_wait3A_309 : memref<1x128xi32, #tpu.memory_space<vmem>> -> memref<128xi32, #tpu.memory_space<vmem>>
      %dma_wait3A_311 = arith.constant 0 : i32
      %dma_wait3A_312 = arith.constant 0 : i32
      %dma_wait3A_313 = tpu.memref_slice %arg14[%dma_wait3A_311, %dma_wait3A_312] : memref<2064x64xf32, #tpu.memory_space<vmem_shared>> -> memref<2064x64xf32, #tpu.memory_space<vmem_shared>>
      tpu.wait_indirect_dma semaphore(%arg21 : memref<!tpu.dma_semaphore, #tpu.memory_space<semaphore_mem>>) src(%arg10 : memref<128x64xf32, #tpu.memory_space<vmem>>) dst(%dma_wait3A_313 : memref<2064x64xf32, #tpu.memory_space<vmem_shared>>)
      %add3A_314 = arith.constant 4 : i32
      %add3A_315 = arith.addi %add3A_295, %add3A_314 : i32
      %dma_start3A_316 = arith.constant 0 : i32
      %dma_start3A_317 = tpu.memref_slice %arg6[%add3A_315, %dma_start3A_316] : memref<200x128xi32, #tpu.memory_space<vmem>> -> memref<1x128xi32, #tpu.memory_space<vmem>>
      %dma_start3A_318 = tpu.memref_squeeze %dma_start3A_317 : memref<1x128xi32, #tpu.memory_space<vmem>> -> memref<128xi32, #tpu.memory_space<vmem>>
      %dma_start3A_319 = arith.constant 0 : i32
      %dma_start3A_320 = arith.constant 0 : i32
      %dma_start3A_321 = tpu.memref_slice %arg4[%dma_start3A_319, %dma_start3A_320] : memref<2000000x64xf32, #tpu.memory_space<hbm>> -> memref<2000000x64xf32, #tpu.memory_space<hbm>>
      tpu.enqueue_indirect_dma source(%dma_start3A_321 : memref<2000000x64xf32, #tpu.memory_space<hbm>>) target(%arg10 : memref<128x64xf32, #tpu.memory_space<vmem>>) offsets(%dma_start3A_318 : memref<128xi32, #tpu.memory_space<vmem>>) semaphore(%arg17 : memref<!tpu.dma_semaphore, #tpu.memory_space<semaphore_mem>>)
      %mul3A_322 = arith.constant 4 : i32
      %mul3A_323 = arith.muli %scan3A_231, %mul3A_322 : i32
      %add3A_324 = arith.constant 3 : i32
      %add3A_325 = arith.addi %mul3A_323, %add3A_324 : i32
      %dma_wait3A_326 = arith.constant 0 : i32
      %dma_wait3A_327 = tpu.memref_slice %arg6[%add3A_325, %dma_wait3A_326] : memref<200x128xi32, #tpu.memory_space<vmem>> -> memref<1x128xi32, #tpu.memory_space<vmem>>
      %dma_wait3A_328 = tpu.memref_squeeze %dma_wait3A_327 : memref<1x128xi32, #tpu.memory_space<vmem>> -> memref<128xi32, #tpu.memory_space<vmem>>
      %dma_wait3A_329 = arith.constant 0 : i32
      %dma_wait3A_330 = arith.constant 0 : i32
      %dma_wait3A_331 = tpu.memref_slice %arg4[%dma_wait3A_329, %dma_wait3A_330] : memref<2000000x64xf32, #tpu.memory_space<hbm>> -> memref<2000000x64xf32, #tpu.memory_space<hbm>>
      tpu.wait_indirect_dma semaphore(%arg18 : memref<!tpu.dma_semaphore, #tpu.memory_space<semaphore_mem>>) src(%dma_wait3A_331 : memref<2000000x64xf32, #tpu.memory_space<hbm>>) dst(%arg11 : memref<128x64xf32, #tpu.memory_space<vmem>>)
      %dma_start3A_332 = arith.constant 0 : i32
      %dma_start3A_333 = tpu.memref_slice %arg7[%add3A_325, %dma_start3A_332] : memref<200x128xi32, #tpu.memory_space<vmem>> -> memref<1x128xi32, #tpu.memory_space<vmem>>
      %dma_start3A_334 = tpu.memref_squeeze %dma_start3A_333 : memref<1x128xi32, #tpu.memory_space<vmem>> -> memref<128xi32, #tpu.memory_space<vmem>>
      %dma_start3A_335 = arith.constant 0 : i32
      %dma_start3A_336 = arith.constant 0 : i32
      %dma_start3A_337 = tpu.memref_slice %arg14[%dma_start3A_335, %dma_start3A_336] : memref<2064x64xf32, #tpu.memory_space<vmem_shared>> -> memref<2064x64xf32, #tpu.memory_space<vmem_shared>>
      tpu.enqueue_indirect_dma source(%arg11 : memref<128x64xf32, #tpu.memory_space<vmem>>) target(%dma_start3A_337 : memref<2064x64xf32, #tpu.memory_space<vmem_shared>>) offsets(%dma_start3A_334 : memref<128xi32, #tpu.memory_space<vmem>>) semaphore(%arg22 : memref<!tpu.dma_semaphore, #tpu.memory_space<semaphore_mem>>) {add = true}
      %dma_wait3A_338 = arith.constant 0 : i32
      %dma_wait3A_339 = tpu.memref_slice %arg7[%add3A_325, %dma_wait3A_338] : memref<200x128xi32, #tpu.memory_space<vmem>> -> memref<1x128xi32, #tpu.memory_space<vmem>>
      %dma_wait3A_340 = tpu.memref_squeeze %dma_wait3A_339 : memref<1x128xi32, #tpu.memory_space<vmem>> -> memref<128xi32, #tpu.memory_space<vmem>>
      %dma_wait3A_341 = arith.constant 0 : i32
      %dma_wait3A_342 = arith.constant 0 : i32
      %dma_wait3A_343 = tpu.memref_slice %arg14[%dma_wait3A_341, %dma_wait3A_342] : memref<2064x64xf32, #tpu.memory_space<vmem_shared>> -> memref<2064x64xf32, #tpu.memory_space<vmem_shared>>
      tpu.wait_indirect_dma semaphore(%arg22 : memref<!tpu.dma_semaphore, #tpu.memory_space<semaphore_mem>>) src(%arg11 : memref<128x64xf32, #tpu.memory_space<vmem>>) dst(%dma_wait3A_343 : memref<2064x64xf32, #tpu.memory_space<vmem_shared>>)
      %add3A_344 = arith.constant 4 : i32
      %add3A_345 = arith.addi %add3A_325, %add3A_344 : i32
      %dma_start3A_346 = arith.constant 0 : i32
      %dma_start3A_347 = tpu.memref_slice %arg6[%add3A_345, %dma_start3A_346] : memref<200x128xi32, #tpu.memory_space<vmem>> -> memref<1x128xi32, #tpu.memory_space<vmem>>
      %dma_start3A_348 = tpu.memref_squeeze %dma_start3A_347 : memref<1x128xi32, #tpu.memory_space<vmem>> -> memref<128xi32, #tpu.memory_space<vmem>>
      %dma_start3A_349 = arith.constant 0 : i32
      %dma_start3A_350 = arith.constant 0 : i32
      %dma_start3A_351 = tpu.memref_slice %arg4[%dma_start3A_349, %dma_start3A_350] : memref<2000000x64xf32, #tpu.memory_space<hbm>> -> memref<2000000x64xf32, #tpu.memory_space<hbm>>
      tpu.enqueue_indirect_dma source(%dma_start3A_351 : memref<2000000x64xf32, #tpu.memory_space<hbm>>) target(%arg11 : memref<128x64xf32, #tpu.memory_space<vmem>>) offsets(%dma_start3A_348 : memref<128xi32, #tpu.memory_space<vmem>>) semaphore(%arg18 : memref<!tpu.dma_semaphore, #tpu.memory_space<semaphore_mem>>)
    }
    %scan3A_140 = arith.constant 49 : i32
    %dma_wait3A = arith.constant 196 : i32
    %dma_wait3A_141 = arith.constant 0 : i32
    %dma_wait3A_142 = tpu.memref_slice %arg6[%dma_wait3A, %dma_wait3A_141] : memref<200x128xi32, #tpu.memory_space<vmem>> -> memref<1x128xi32, #tpu.memory_space<vmem>>
    %dma_wait3A_143 = tpu.memref_squeeze %dma_wait3A_142 : memref<1x128xi32, #tpu.memory_space<vmem>> -> memref<128xi32, #tpu.memory_space<vmem>>
    %dma_wait3A_144 = arith.constant 0 : i32
    %dma_wait3A_145 = arith.constant 0 : i32
    %dma_wait3A_146 = tpu.memref_slice %arg4[%dma_wait3A_144, %dma_wait3A_145] : memref<2000000x64xf32, #tpu.memory_space<hbm>> -> memref<2000000x64xf32, #tpu.memory_space<hbm>>
    tpu.wait_indirect_dma semaphore(%arg15 : memref<!tpu.dma_semaphore, #tpu.memory_space<semaphore_mem>>) src(%dma_wait3A_146 : memref<2000000x64xf32, #tpu.memory_space<hbm>>) dst(%arg8 : memref<128x64xf32, #tpu.memory_space<vmem>>)
    %dma_start3A_147 = arith.constant 196 : i32
    %dma_start3A_148 = arith.constant 0 : i32
    %dma_start3A_149 = tpu.memref_slice %arg7[%dma_start3A_147, %dma_start3A_148] : memref<200x128xi32, #tpu.memory_space<vmem>> -> memref<1x128xi32, #tpu.memory_space<vmem>>
    %dma_start3A_150 = tpu.memref_squeeze %dma_start3A_149 : memref<1x128xi32, #tpu.memory_space<vmem>> -> memref<128xi32, #tpu.memory_space<vmem>>
    %dma_start3A_151 = arith.constant 0 : i32
    %dma_start3A_152 = arith.constant 0 : i32
    %dma_start3A_153 = tpu.memref_slice %arg14[%dma_start3A_151, %dma_start3A_152] : memref<2064x64xf32, #tpu.memory_space<vmem_shared>> -> memref<2064x64xf32, #tpu.memory_space<vmem_shared>>
    tpu.enqueue_indirect_dma source(%arg8 : memref<128x64xf32, #tpu.memory_space<vmem>>) target(%dma_start3A_153 : memref<2064x64xf32, #tpu.memory_space<vmem_shared>>) offsets(%dma_start3A_150 : memref<128xi32, #tpu.memory_space<vmem>>) semaphore(%arg19 : memref<!tpu.dma_semaphore, #tpu.memory_space<semaphore_mem>>) {add = true}
    %dma_wait3A_154 = arith.constant 196 : i32
    %dma_wait3A_155 = arith.constant 0 : i32
    %dma_wait3A_156 = tpu.memref_slice %arg7[%dma_wait3A_154, %dma_wait3A_155] : memref<200x128xi32, #tpu.memory_space<vmem>> -> memref<1x128xi32, #tpu.memory_space<vmem>>
    %dma_wait3A_157 = tpu.memref_squeeze %dma_wait3A_156 : memref<1x128xi32, #tpu.memory_space<vmem>> -> memref<128xi32, #tpu.memory_space<vmem>>
    %dma_wait3A_158 = arith.constant 0 : i32
    %dma_wait3A_159 = arith.constant 0 : i32
    %dma_wait3A_160 = tpu.memref_slice %arg14[%dma_wait3A_158, %dma_wait3A_159] : memref<2064x64xf32, #tpu.memory_space<vmem_shared>> -> memref<2064x64xf32, #tpu.memory_space<vmem_shared>>
    tpu.wait_indirect_dma semaphore(%arg19 : memref<!tpu.dma_semaphore, #tpu.memory_space<semaphore_mem>>) src(%arg8 : memref<128x64xf32, #tpu.memory_space<vmem>>) dst(%dma_wait3A_160 : memref<2064x64xf32, #tpu.memory_space<vmem_shared>>)
    %dma_wait3A_161 = arith.constant 197 : i32
    %dma_wait3A_162 = arith.constant 0 : i32
    %dma_wait3A_163 = tpu.memref_slice %arg6[%dma_wait3A_161, %dma_wait3A_162] : memref<200x128xi32, #tpu.memory_space<vmem>> -> memref<1x128xi32, #tpu.memory_space<vmem>>
    %dma_wait3A_164 = tpu.memref_squeeze %dma_wait3A_163 : memref<1x128xi32, #tpu.memory_space<vmem>> -> memref<128xi32, #tpu.memory_space<vmem>>
    %dma_wait3A_165 = arith.constant 0 : i32
    %dma_wait3A_166 = arith.constant 0 : i32
    %dma_wait3A_167 = tpu.memref_slice %arg4[%dma_wait3A_165, %dma_wait3A_166] : memref<2000000x64xf32, #tpu.memory_space<hbm>> -> memref<2000000x64xf32, #tpu.memory_space<hbm>>
    tpu.wait_indirect_dma semaphore(%arg16 : memref<!tpu.dma_semaphore, #tpu.memory_space<semaphore_mem>>) src(%dma_wait3A_167 : memref<2000000x64xf32, #tpu.memory_space<hbm>>) dst(%arg9 : memref<128x64xf32, #tpu.memory_space<vmem>>)
    %dma_start3A_168 = arith.constant 197 : i32
    %dma_start3A_169 = arith.constant 0 : i32
    %dma_start3A_170 = tpu.memref_slice %arg7[%dma_start3A_168, %dma_start3A_169] : memref<200x128xi32, #tpu.memory_space<vmem>> -> memref<1x128xi32, #tpu.memory_space<vmem>>
    %dma_start3A_171 = tpu.memref_squeeze %dma_start3A_170 : memref<1x128xi32, #tpu.memory_space<vmem>> -> memref<128xi32, #tpu.memory_space<vmem>>
    %dma_start3A_172 = arith.constant 0 : i32
    %dma_start3A_173 = arith.constant 0 : i32
    %dma_start3A_174 = tpu.memref_slice %arg14[%dma_start3A_172, %dma_start3A_173] : memref<2064x64xf32, #tpu.memory_space<vmem_shared>> -> memref<2064x64xf32, #tpu.memory_space<vmem_shared>>
    tpu.enqueue_indirect_dma source(%arg9 : memref<128x64xf32, #tpu.memory_space<vmem>>) target(%dma_start3A_174 : memref<2064x64xf32, #tpu.memory_space<vmem_shared>>) offsets(%dma_start3A_171 : memref<128xi32, #tpu.memory_space<vmem>>) semaphore(%arg20 : memref<!tpu.dma_semaphore, #tpu.memory_space<semaphore_mem>>) {add = true}
    %dma_wait3A_175 = arith.constant 197 : i32
    %dma_wait3A_176 = arith.constant 0 : i32
    %dma_wait3A_177 = tpu.memref_slice %arg7[%dma_wait3A_175, %dma_wait3A_176] : memref<200x128xi32, #tpu.memory_space<vmem>> -> memref<1x128xi32, #tpu.memory_space<vmem>>
    %dma_wait3A_178 = tpu.memref_squeeze %dma_wait3A_177 : memref<1x128xi32, #tpu.memory_space<vmem>> -> memref<128xi32, #tpu.memory_space<vmem>>
    %dma_wait3A_179 = arith.constant 0 : i32
    %dma_wait3A_180 = arith.constant 0 : i32
    %dma_wait3A_181 = tpu.memref_slice %arg14[%dma_wait3A_179, %dma_wait3A_180] : memref<2064x64xf32, #tpu.memory_space<vmem_shared>> -> memref<2064x64xf32, #tpu.memory_space<vmem_shared>>
    tpu.wait_indirect_dma semaphore(%arg20 : memref<!tpu.dma_semaphore, #tpu.memory_space<semaphore_mem>>) src(%arg9 : memref<128x64xf32, #tpu.memory_space<vmem>>) dst(%dma_wait3A_181 : memref<2064x64xf32, #tpu.memory_space<vmem_shared>>)
    %dma_wait3A_182 = arith.constant 198 : i32
    %dma_wait3A_183 = arith.constant 0 : i32
    %dma_wait3A_184 = tpu.memref_slice %arg6[%dma_wait3A_182, %dma_wait3A_183] : memref<200x128xi32, #tpu.memory_space<vmem>> -> memref<1x128xi32, #tpu.memory_space<vmem>>
    %dma_wait3A_185 = tpu.memref_squeeze %dma_wait3A_184 : memref<1x128xi32, #tpu.memory_space<vmem>> -> memref<128xi32, #tpu.memory_space<vmem>>
    %dma_wait3A_186 = arith.constant 0 : i32
    %dma_wait3A_187 = arith.constant 0 : i32
    %dma_wait3A_188 = tpu.memref_slice %arg4[%dma_wait3A_186, %dma_wait3A_187] : memref<2000000x64xf32, #tpu.memory_space<hbm>> -> memref<2000000x64xf32, #tpu.memory_space<hbm>>
    tpu.wait_indirect_dma semaphore(%arg17 : memref<!tpu.dma_semaphore, #tpu.memory_space<semaphore_mem>>) src(%dma_wait3A_188 : memref<2000000x64xf32, #tpu.memory_space<hbm>>) dst(%arg10 : memref<128x64xf32, #tpu.memory_space<vmem>>)
    %dma_start3A_189 = arith.constant 198 : i32
    %dma_start3A_190 = arith.constant 0 : i32
    %dma_start3A_191 = tpu.memref_slice %arg7[%dma_start3A_189, %dma_start3A_190] : memref<200x128xi32, #tpu.memory_space<vmem>> -> memref<1x128xi32, #tpu.memory_space<vmem>>
    %dma_start3A_192 = tpu.memref_squeeze %dma_start3A_191 : memref<1x128xi32, #tpu.memory_space<vmem>> -> memref<128xi32, #tpu.memory_space<vmem>>
    %dma_start3A_193 = arith.constant 0 : i32
    %dma_start3A_194 = arith.constant 0 : i32
    %dma_start3A_195 = tpu.memref_slice %arg14[%dma_start3A_193, %dma_start3A_194] : memref<2064x64xf32, #tpu.memory_space<vmem_shared>> -> memref<2064x64xf32, #tpu.memory_space<vmem_shared>>
    tpu.enqueue_indirect_dma source(%arg10 : memref<128x64xf32, #tpu.memory_space<vmem>>) target(%dma_start3A_195 : memref<2064x64xf32, #tpu.memory_space<vmem_shared>>) offsets(%dma_start3A_192 : memref<128xi32, #tpu.memory_space<vmem>>) semaphore(%arg21 : memref<!tpu.dma_semaphore, #tpu.memory_space<semaphore_mem>>) {add = true}
    %dma_wait3A_196 = arith.constant 198 : i32
    %dma_wait3A_197 = arith.constant 0 : i32
    %dma_wait3A_198 = tpu.memref_slice %arg7[%dma_wait3A_196, %dma_wait3A_197] : memref<200x128xi32, #tpu.memory_space<vmem>> -> memref<1x128xi32, #tpu.memory_space<vmem>>
    %dma_wait3A_199 = tpu.memref_squeeze %dma_wait3A_198 : memref<1x128xi32, #tpu.memory_space<vmem>> -> memref<128xi32, #tpu.memory_space<vmem>>
    %dma_wait3A_200 = arith.constant 0 : i32
    %dma_wait3A_201 = arith.constant 0 : i32
    %dma_wait3A_202 = tpu.memref_slice %arg14[%dma_wait3A_200, %dma_wait3A_201] : memref<2064x64xf32, #tpu.memory_space<vmem_shared>> -> memref<2064x64xf32, #tpu.memory_space<vmem_shared>>
    tpu.wait_indirect_dma semaphore(%arg21 : memref<!tpu.dma_semaphore, #tpu.memory_space<semaphore_mem>>) src(%arg10 : memref<128x64xf32, #tpu.memory_space<vmem>>) dst(%dma_wait3A_202 : memref<2064x64xf32, #tpu.memory_space<vmem_shared>>)
    %dma_wait3A_203 = arith.constant 199 : i32
    %dma_wait3A_204 = arith.constant 0 : i32
    %dma_wait3A_205 = tpu.memref_slice %arg6[%dma_wait3A_203, %dma_wait3A_204] : memref<200x128xi32, #tpu.memory_space<vmem>> -> memref<1x128xi32, #tpu.memory_space<vmem>>
    %dma_wait3A_206 = tpu.memref_squeeze %dma_wait3A_205 : memref<1x128xi32, #tpu.memory_space<vmem>> -> memref<128xi32, #tpu.memory_space<vmem>>
    %dma_wait3A_207 = arith.constant 0 : i32
    %dma_wait3A_208 = arith.constant 0 : i32
    %dma_wait3A_209 = tpu.memref_slice %arg4[%dma_wait3A_207, %dma_wait3A_208] : memref<2000000x64xf32, #tpu.memory_space<hbm>> -> memref<2000000x64xf32, #tpu.memory_space<hbm>>
    tpu.wait_indirect_dma semaphore(%arg18 : memref<!tpu.dma_semaphore, #tpu.memory_space<semaphore_mem>>) src(%dma_wait3A_209 : memref<2000000x64xf32, #tpu.memory_space<hbm>>) dst(%arg11 : memref<128x64xf32, #tpu.memory_space<vmem>>)
    %dma_start3A_210 = arith.constant 199 : i32
    %dma_start3A_211 = arith.constant 0 : i32
    %dma_start3A_212 = tpu.memref_slice %arg7[%dma_start3A_210, %dma_start3A_211] : memref<200x128xi32, #tpu.memory_space<vmem>> -> memref<1x128xi32, #tpu.memory_space<vmem>>
    %dma_start3A_213 = tpu.memref_squeeze %dma_start3A_212 : memref<1x128xi32, #tpu.memory_space<vmem>> -> memref<128xi32, #tpu.memory_space<vmem>>
    %dma_start3A_214 = arith.constant 0 : i32
    %dma_start3A_215 = arith.constant 0 : i32
    %dma_start3A_216 = tpu.memref_slice %arg14[%dma_start3A_214, %dma_start3A_215] : memref<2064x64xf32, #tpu.memory_space<vmem_shared>> -> memref<2064x64xf32, #tpu.memory_space<vmem_shared>>
    tpu.enqueue_indirect_dma source(%arg11 : memref<128x64xf32, #tpu.memory_space<vmem>>) target(%dma_start3A_216 : memref<2064x64xf32, #tpu.memory_space<vmem_shared>>) offsets(%dma_start3A_213 : memref<128xi32, #tpu.memory_space<vmem>>) semaphore(%arg22 : memref<!tpu.dma_semaphore, #tpu.memory_space<semaphore_mem>>) {add = true}
    %dma_wait3A_217 = arith.constant 199 : i32
    %dma_wait3A_218 = arith.constant 0 : i32
    %dma_wait3A_219 = tpu.memref_slice %arg7[%dma_wait3A_217, %dma_wait3A_218] : memref<200x128xi32, #tpu.memory_space<vmem>> -> memref<1x128xi32, #tpu.memory_space<vmem>>
    %dma_wait3A_220 = tpu.memref_squeeze %dma_wait3A_219 : memref<1x128xi32, #tpu.memory_space<vmem>> -> memref<128xi32, #tpu.memory_space<vmem>>
    %dma_wait3A_221 = arith.constant 0 : i32
    %dma_wait3A_222 = arith.constant 0 : i32
    %dma_wait3A_223 = tpu.memref_slice %arg14[%dma_wait3A_221, %dma_wait3A_222] : memref<2064x64xf32, #tpu.memory_space<vmem_shared>> -> memref<2064x64xf32, #tpu.memory_space<vmem_shared>>
    tpu.wait_indirect_dma semaphore(%arg22 : memref<!tpu.dma_semaphore, #tpu.memory_space<semaphore_mem>>) src(%arg11 : memref<128x64xf32, #tpu.memory_space<vmem>>) dst(%dma_wait3A_223 : memref<2064x64xf32, #tpu.memory_space<vmem_shared>>)
    "tpu.region"() ({
      %run_scoped3A = tpu.sem_alloc : memref<!tpu.dma_semaphore, #tpu.memory_space<semaphore_mem>>
      %dma_start3A_231 = arith.constant 0 : i32
      %dma_start3A_232 = arith.constant 0 : i32
      %dma_start3A_233 = tpu.memref_slice %arg12[%dma_start3A_231, %dma_start3A_232] : memref<129x64xf32, #tpu.memory_space<vmem>> -> memref<128x64xf32, #tpu.memory_space<vmem>>
      %dma_start3A_234 = arith.constant 0 : i32
      %dma_start3A_235 = tpu.memref_slice %arg14[%mul3A_4, %dma_start3A_234] : memref<2064x64xf32, #tpu.memory_space<vmem_shared>> -> memref<128x64xf32, #tpu.memory_space<vmem_shared>>
      %dma_start3A_236 = arith.constant 0 : i32
      %dma_start3A_237 = arith.constant 0 : i32
      %dma_start3A_238 = tpu.memref_slice %arg12[%dma_start3A_236, %dma_start3A_237] : memref<129x64xf32, #tpu.memory_space<vmem>> -> memref<128x64xf32, #tpu.memory_space<vmem>>
      %dma_start3A_239 = arith.constant 0 : i32
      %dma_start3A_240 = tpu.memref_slice %arg14[%mul3A_4, %dma_start3A_239] : memref<2064x64xf32, #tpu.memory_space<vmem_shared>> -> memref<128x64xf32, #tpu.memory_space<vmem_shared>>
      tpu.enqueue_dma source(%dma_start3A_240 : memref<128x64xf32, #tpu.memory_space<vmem_shared>>) target(%dma_start3A_238 : memref<128x64xf32, #tpu.memory_space<vmem>>) target_semaphore(%run_scoped3A : memref<!tpu.dma_semaphore, #tpu.memory_space<semaphore_mem>>)
      %dma_wait3A_241 = arith.constant 0 : i32
      %dma_wait3A_242 = arith.constant 0 : i32
      %dma_wait3A_243 = tpu.memref_slice %arg12[%dma_wait3A_241, %dma_wait3A_242] : memref<129x64xf32, #tpu.memory_space<vmem>> -> memref<128x64xf32, #tpu.memory_space<vmem>>
      %dma_wait3A_244 = arith.constant 0 : i32
      %dma_wait3A_245 = tpu.memref_slice %arg14[%mul3A_4, %dma_wait3A_244] : memref<2064x64xf32, #tpu.memory_space<vmem_shared>> -> memref<128x64xf32, #tpu.memory_space<vmem_shared>>
      %dma_wait3A_246 = arith.constant 0 : i32
      %dma_wait3A_247 = arith.constant 0 : i32
      %dma_wait3A_248 = tpu.memref_slice %arg12[%dma_wait3A_246, %dma_wait3A_247] : memref<129x64xf32, #tpu.memory_space<vmem>> -> memref<128x64xf32, #tpu.memory_space<vmem>>
      %dma_wait3A_249 = arith.constant 0 : i32
      %dma_wait3A_250 = tpu.memref_slice %arg14[%mul3A_4, %dma_wait3A_249] : memref<2064x64xf32, #tpu.memory_space<vmem_shared>> -> memref<128x64xf32, #tpu.memory_space<vmem_shared>>
      tpu.wait_dma2 semaphore(%run_scoped3A : memref<!tpu.dma_semaphore, #tpu.memory_space<semaphore_mem>>) src(%dma_wait3A_250 : memref<128x64xf32, #tpu.memory_space<vmem_shared>>) dst(%dma_wait3A_248 : memref<128x64xf32, #tpu.memory_space<vmem>>)
      tpu.yield
    }) : () -> ()
    %iota3A_224 = tpu.iota {dimensions = array<i32: 0>} : vector<16xi32>
    %scan3A_225 = arith.constant 0 : i32
    %scan3A_226 = arith.constant 0 : i32
    %scan3A_227 = arith.constant 128 : i32
    %scan3A_228 = arith.addi %scan3A_226, %scan3A_227 : i32
    %scan3A_229 = arith.constant 1 : i32
    scf.for %scan3A_231 = %scan3A_226 to %scan3A_228 step %scan3A_229  : i32 {
      %jit3A = arith.constant 16 : i32
      %div3A_232 = arith.divsi %scan3A_231, %jit3A : i32
      %sign3A = arith.constant 0 : i32
      %sign3A_233 = arith.cmpi sgt, %scan3A_231, %sign3A : i32
      %sign3A_234 = arith.extui %sign3A_233 : i1 to i32
      %sign3A_235 = arith.constant 0 : i32
      %sign3A_236 = arith.cmpi slt, %scan3A_231, %sign3A_235 : i32
      %sign3A_237 = arith.extui %sign3A_236 : i1 to i32
      %sign3A_238 = arith.subi %sign3A_234, %sign3A_237 : i32
      %sign3A_239 = arith.constant 0 : i32
      %sign3A_240 = arith.cmpi sgt, %jit3A, %sign3A_239 : i32
      %sign3A_241 = arith.extui %sign3A_240 : i1 to i32
      %sign3A_242 = arith.constant 0 : i32
      %sign3A_243 = arith.cmpi slt, %jit3A, %sign3A_242 : i32
      %sign3A_244 = arith.extui %sign3A_243 : i1 to i32
      %sign3A_245 = arith.subi %sign3A_241, %sign3A_244 : i32
      %ne3A = arith.cmpi ne, %sign3A_238, %sign3A_245 : i32
      %rem3A = arith.remsi %scan3A_231, %jit3A : i32
      %ne3A_246 = arith.constant 0 : i32
      %ne3A_247 = arith.cmpi ne, %rem3A, %ne3A_246 : i32
      %and3A = arith.andi %ne3A, %ne3A_247 : i1
      %sub3A = arith.constant 1 : i32
      %sub3A_248 = arith.subi %div3A_232, %sub3A : i32
      %select_n3A = arith.select %and3A, %sub3A_248, %div3A_232 : i32
      %mul3A_249 = arith.constant 16 : i32
      %mul3A_250 = arith.muli %select_n3A, %mul3A_249 : i32
      %sub3A_251 = arith.subi %scan3A_231, %mul3A_250 : i32
      %mul3A_252 = arith.constant 16 : i32
      %mul3A_253 = arith.muli %select_n3A, %mul3A_252 : i32
      %get3A = arith.index_cast %mul3A_253 : i32 to index
      %get3A_254 = tpu.vector_load %arg13[%get3A] {strides = array<i32>} : memref<128xf32, #tpu.memory_space<vmem>>, vector<16xf32>,
      %eq3A = vector.broadcast %sub3A_251 : i32 to vector<16xi32>
      %eq3A_255 = arith.cmpi eq, %iota3A_224, %eq3A : vector<16xi32>
      %jit3A_256 = arith.constant 0.000000e+00 : f32
      %broadcast_in_dim3A_257 = vector.broadcast %jit3A_256 : f32 to vector<16xf32>
      %select_n3A_258 = arith.select %eq3A_255, %get3A_254, %broadcast_in_dim3A_257 : vector<16xi1>, vector<16xf32>
      %reduce_sum3A = arith.constant true
      %reduce_sum3A_259 = vector.broadcast %reduce_sum3A : i1 to vector<16xi1>
      %reduce_sum3A_260 = tpu.scan <sum>, %select_n3A_258 masked %reduce_sum3A_259 : vector<16xf32>, vector<16xi1> -> vector<16xf32>
      %reduce_sum3A_261 = vector.extract %reduce_sum3A_260[15] : f32 from vector<16xf32>
      %broadcast_in_dim3A_262 = vector.broadcast %reduce_sum3A_261 : f32 to vector<16xf32>
      %get3A_263 = arith.index_cast %scan3A_231 : i32 to index
      %get3A_264 = arith.constant 0 : index
      %get3A_265 = tpu.vector_load %arg12[%get3A_263, %get3A_264] {strides = array<i32>} : memref<129x64xf32, #tpu.memory_space<vmem>>, vector<16xf32>,
      %mul3A_266 = arith.mulf %get3A_265, %broadcast_in_dim3A_262 : vector<16xf32>
      %swap3A_267 = arith.index_cast %scan3A_231 : i32 to index
      %swap3A_268 = arith.constant 0 : index
      %swap3A_269 = tpu.vector_load %arg12[%swap3A_267, %swap3A_268] {strides = array<i32>} : memref<129x64xf32, #tpu.memory_space<vmem>>, vector<16xf32>,
      tpu.vector_store %arg12[%swap3A_267, %swap3A_268], %mul3A_266 {strides = array<i32>} : memref<129x64xf32, #tpu.memory_space<vmem>>, vector<16xf32>,
      %get3A_270 = arith.index_cast %scan3A_231 : i32 to index
      %get3A_271 = arith.constant 16 : index
      %get3A_272 = tpu.vector_load %arg12[%get3A_270, %get3A_271] {strides = array<i32>} : memref<129x64xf32, #tpu.memory_space<vmem>>, vector<16xf32>,
      %mul3A_273 = arith.mulf %get3A_272, %broadcast_in_dim3A_262 : vector<16xf32>
      %swap3A_274 = arith.index_cast %scan3A_231 : i32 to index
      %swap3A_275 = arith.constant 16 : index
      %swap3A_276 = tpu.vector_load %arg12[%swap3A_274, %swap3A_275] {strides = array<i32>} : memref<129x64xf32, #tpu.memory_space<vmem>>, vector<16xf32>,
      tpu.vector_store %arg12[%swap3A_274, %swap3A_275], %mul3A_273 {strides = array<i32>} : memref<129x64xf32, #tpu.memory_space<vmem>>, vector<16xf32>,
      %get3A_277 = arith.index_cast %scan3A_231 : i32 to index
      %get3A_278 = arith.constant 32 : index
      %get3A_279 = tpu.vector_load %arg12[%get3A_277, %get3A_278] {strides = array<i32>} : memref<129x64xf32, #tpu.memory_space<vmem>>, vector<16xf32>,
      %mul3A_280 = arith.mulf %get3A_279, %broadcast_in_dim3A_262 : vector<16xf32>
      %swap3A_281 = arith.index_cast %scan3A_231 : i32 to index
      %swap3A_282 = arith.constant 32 : index
      %swap3A_283 = tpu.vector_load %arg12[%swap3A_281, %swap3A_282] {strides = array<i32>} : memref<129x64xf32, #tpu.memory_space<vmem>>, vector<16xf32>,
      tpu.vector_store %arg12[%swap3A_281, %swap3A_282], %mul3A_280 {strides = array<i32>} : memref<129x64xf32, #tpu.memory_space<vmem>>, vector<16xf32>,
      %get3A_284 = arith.index_cast %scan3A_231 : i32 to index
      %get3A_285 = arith.constant 48 : index
      %get3A_286 = tpu.vector_load %arg12[%get3A_284, %get3A_285] {strides = array<i32>} : memref<129x64xf32, #tpu.memory_space<vmem>>, vector<16xf32>,
      %mul3A_287 = arith.mulf %get3A_286, %broadcast_in_dim3A_262 : vector<16xf32>
      %swap3A_288 = arith.index_cast %scan3A_231 : i32 to index
      %swap3A_289 = arith.constant 48 : index
      %swap3A_290 = tpu.vector_load %arg12[%swap3A_288, %swap3A_289] {strides = array<i32>} : memref<129x64xf32, #tpu.memory_space<vmem>>, vector<16xf32>,
      tpu.vector_store %arg12[%swap3A_288, %swap3A_289], %mul3A_287 {strides = array<i32>} : memref<129x64xf32, #tpu.memory_space<vmem>>, vector<16xf32>,
    }
    %scan3A_230 = arith.constant 128 : i32
    "tpu.region"() ({
      %run_scoped3A = tpu.sem_alloc : memref<!tpu.dma_semaphore, #tpu.memory_space<semaphore_mem>>
      %dma_start3A_231 = arith.constant 0 : i32
      %dma_start3A_232 = arith.constant 0 : i32
      %dma_start3A_233 = tpu.memref_slice %arg12[%dma_start3A_231, %dma_start3A_232] : memref<129x64xf32, #tpu.memory_space<vmem>> -> memref<128x64xf32, #tpu.memory_space<vmem>>
      %dma_start3A_234 = arith.constant 0 : i32
      %dma_start3A_235 = tpu.memref_slice %arg5[%mul3A_2, %dma_start3A_234] : memref<4096x64xf32, #tpu.memory_space<hbm>> -> memref<128x64xf32, #tpu.memory_space<hbm>>
      %dma_start3A_236 = arith.constant 0 : i32
      %dma_start3A_237 = tpu.memref_slice %arg5[%mul3A_2, %dma_start3A_236] : memref<4096x64xf32, #tpu.memory_space<hbm>> -> memref<128x64xf32, #tpu.memory_space<hbm>>
      %dma_start3A_238 = arith.constant 0 : i32
      %dma_start3A_239 = arith.constant 0 : i32
      %dma_start3A_240 = tpu.memref_slice %arg12[%dma_start3A_238, %dma_start3A_239] : memref<129x64xf32, #tpu.memory_space<vmem>> -> memref<128x64xf32, #tpu.memory_space<vmem>>
      tpu.enqueue_dma source(%dma_start3A_240 : memref<128x64xf32, #tpu.memory_space<vmem>>) target(%dma_start3A_237 : memref<128x64xf32, #tpu.memory_space<hbm>>) target_semaphore(%run_scoped3A : memref<!tpu.dma_semaphore, #tpu.memory_space<semaphore_mem>>)
      %dma_wait3A_241 = arith.constant 0 : i32
      %dma_wait3A_242 = arith.constant 0 : i32
      %dma_wait3A_243 = tpu.memref_slice %arg12[%dma_wait3A_241, %dma_wait3A_242] : memref<129x64xf32, #tpu.memory_space<vmem>> -> memref<128x64xf32, #tpu.memory_space<vmem>>
      %dma_wait3A_244 = arith.constant 0 : i32
      %dma_wait3A_245 = tpu.memref_slice %arg5[%mul3A_2, %dma_wait3A_244] : memref<4096x64xf32, #tpu.memory_space<hbm>> -> memref<128x64xf32, #tpu.memory_space<hbm>>
      %dma_wait3A_246 = arith.constant 0 : i32
      %dma_wait3A_247 = tpu.memref_slice %arg5[%mul3A_2, %dma_wait3A_246] : memref<4096x64xf32, #tpu.memory_space<hbm>> -> memref<128x64xf32, #tpu.memory_space<hbm>>
      %dma_wait3A_248 = arith.constant 0 : i32
      %dma_wait3A_249 = arith.constant 0 : i32
      %dma_wait3A_250 = tpu.memref_slice %arg12[%dma_wait3A_248, %dma_wait3A_249] : memref<129x64xf32, #tpu.memory_space<vmem>> -> memref<128x64xf32, #tpu.memory_space<vmem>>
      tpu.wait_dma2 semaphore(%run_scoped3A : memref<!tpu.dma_semaphore, #tpu.memory_space<semaphore_mem>>) src(%dma_wait3A_250 : memref<128x64xf32, #tpu.memory_space<vmem>>) dst(%dma_wait3A_247 : memref<128x64xf32, #tpu.memory_space<hbm>>)
      tpu.yield
    }) : () -> ()
    return
  }
}

</mosaic_0001>

<sc_bundles>
// kernel: kernel.3.cloned.1.call-start
scs
__scs_entry_jumppad:
0x0: {  	(pc) =	sbr.rel $0x88, $3  }
0x1: {  	(tag) =	ssettag $0x0;
	lr =	simm.s32 $0x1  }
0x2: {  	[smem:$0x3F9E] =	sst lr;
	_ =	strace $0xD0000000  }
0x3: {  	_ = 	snop  }
0x4: {  	_ = 	snop  }
0x5: {  	_ = 	snop  }
0x6: {  	_ = 	snop  }
0x7: {  	_ = 	snop  }
__scs_overlays_trampoline_lowered:
0x8: {  	[smem:$0x3FAD] =	sst s0  }
0x9: {  	[smem:$0x3FAE] =	sst s1  }
0xa: {  	[smem:$0x3FAF] =	sst s2  }
0xb: {  	[smem:$0x3FB0] =	sst s3  }
0xc: {  	[smem:$0x3FB1] =	sst s4  }
0xd: {  	[smem:$0x3FB2] =	sst s5  }
0xe: {  	[smem:$0x3FB3] =	sst s6  }
0xf: {  	[smem:$0x3FB4] =	sst s7  }
0x10: {  	[smem:$0x3FB5] =	sst s8  }
0x11: {  	[smem:$0x3FB6] =	sst s9;
	s0 =	simm.s32 @!p0 $0x0  }
0x12: {  	s1 =	sld [smem:$0x3F9C];
	s0 =	simm.s32 @p0 $0x1  }
0x13: {  	[smem:$0x3FB7] =	sst s0;
	s0 =	simm.s32 @!p1 $0x0  }
0x14: {  	s2 =	sld [smem:$0x3F9B];
	s0 =	simm.s32 @p1 $0x1  }
0x15: {  	[smem:$0x3FB8] =	sst s0;
	s0 =	simm.s32 @!p2 $0x0  }
0x16: {  	s3 =	sld [smem:$0x3FDB];
	s0 =	simm.s32 @p2 $0x1  }
0x17: {  	s4 =	simm.s32 $0x1BF5;
	[smem:$0x3FBA] =	sst s0  }
0x18: {  	s0 =	sld [smem:$0x3F9D];
	_ =	swait.ge [sflag:s4], $0x0  }
0x19: {  	s7 =	sld [smem:$0x3F9E]  }
0x1a: {  	s8 =	sadd.s32 $0xFFFFE003, lr  }
0x1b: {  	s9 =	sadd.s32 $0xFFFFFEF7, lr;
	s5 =	simm.s32 $0xFFFFFFFF;
	p2 =	slt.u32 s8, $0xFFFFF086  }
0x1c: {  	p1 =	slt.u32 s9, $0xF7A;
	s5 =	simm.s32 @!p2 $0x0  }
0x1d: {  	s5 =	simm.s32 @p1 $0x1;
	p0 =	seq.s32 s7, s2  }
0x1e: {  	s7 =	smul.u32 @!p0 $0xF7A, s2;
	p2 =	seq.s32 @!p0 s5, $0x0  }
0x1f: {  	s9 =	smul.u32 $0xF7A, s1;
	s8 =	simm.s32 @!p0 $0x1BF5;
	p2 =	por !p2, p0  }
0x20: {  	[sflag:s8] =	ssyncset.s32 @!p0 $0xFFFFF086;
	s6 =	sadd.s32 @!p0 s3, s7;
	s7 =	simm.s32 @!p0 $0x108  }
0x21: {  	s3 =	sadd.s32 s3, s9;
	s6 =	sadd.s32 @!p0 $0x88, s6;
	s7 =	simm.s32 @p2 $0x1082  }
0x22: {  	[simem:s7], [sflag:s8] =	dma.local @!p0 [hbm:s6], $0xF7A  }
0x23: {  	s9 =	sor.u32 $0xD0000000, s2;
	s6 =	simm.s32 $0x108;
	_ =	swait.ge @!p0 [sflag:s8], $0x0  }
0x24: {  	s3 =	sadd.s32 $0x88, s3;
	s6 =	simm.s32 @!p1 $0x1082;
	[sflag:s4] =	ssyncset.s32 $0xFFFFF086  }
0x25: {  	[simem:s6], [sflag:s4] =	dma.local [hbm:s3], $0xF7A  }
0x26: {  	[smem:$0x3F9E] =	sst s1;
	(tag) =	ssettag s2;
	_ =	strace s9  }
0x27: {  	s1 =	sld [smem:$0x3FAE]  }
0x28: {  	s2 =	sld [smem:$0x3FAF]  }
0x29: {  	s4 =	sld [smem:$0x3FB1]  }
0x2a: {  	p0 =	seq.s32 s5, $0x0;
	s5 =	sld [smem:$0x3FB2]  }
0x2b: {  	s6 =	sld [smem:$0x3FB3]  }
0x2c: {  	s7 =	sld [smem:$0x3FB4]  }
0x2d: {  	s3 =	simm.s32 $0x108;
	s8 =	sld [smem:$0x3FB5]  }
0x2e: {  	s3 =	simm.s32 @!p0 $0x1082;
	s9 =	sld [smem:$0x3FB6]  }
0x2f: {  	lr =	sadd.s32 s0, s3;
	s0 =	sld [smem:$0x3FAD]  }
0x30: {  	s3 =	sld [smem:$0x3FB0]  }
0x31: {  	[smem:$0x3FB9] =	sst s10  }
0x32: {  	s10 =	sld [smem:$0x3FB7];
	_ =	sdelay $0x3  }
0x33: {  	p0 =	seq.s32 s10, $0x1;
	s10 =	sld [smem:$0x3FB9];
	_ =	sdelay $0x3  }
0x34: {  	[smem:$0x3FB9] =	sst s10  }
0x35: {  	s10 =	sld [smem:$0x3FB8];
	_ =	sdelay $0x3  }
0x36: {  	p1 =	seq.s32 s10, $0x1;
	s10 =	sld [smem:$0x3FB9];
	_ =	sdelay $0x3  }
0x37: {  	[smem:$0x3FB9] =	sst s10  }
0x38: {  	s10 =	sld [smem:$0x3FBA]  }
0x39: {  	_ = 	snop;
	(pc) =	sbr.ind lr, $3  }
0x3a: {  	_ = 	snop  }
0x3b: {  	_ = 	snop  }
0x3c: {  	p2 =	seq.s32 s10, $0x1;
	s10 =	sld [smem:$0x3FB9]  }
0x3d: {  	_ =	shalt  }
0x3e: {  	_ =	shalt  }
0x3f: {  	_ =	shalt  }
0x40: {  	_ =	shalt  }
0x41: {  	_ =	shalt  }
0x42: {  	_ =	shalt  }
0x43: {  	_ =	shalt  }
0x44: {  	_ =	shalt  }
0x45: {  	_ =	shalt  }
0x46: {  	_ =	shalt  }
0x47: {  	_ =	shalt  }
0x48: {  	_ =	shalt  }
0x49: {  	_ =	shalt  }
0x4a: {  	_ =	shalt  }
0x4b: {  	_ =	shalt  }
0x4c: {  	_ =	shalt  }
0x4d: {  	_ =	shalt  }
0x4e: {  	_ =	shalt  }
0x4f: {  	_ =	shalt  }
0x50: {  	_ =	shalt  }
0x51: {  	_ =	shalt  }
0x52: {  	_ =	shalt  }
0x53: {  	_ =	shalt  }
0x54: {  	_ =	shalt  }
0x55: {  	_ =	shalt  }
0x56: {  	_ =	shalt  }
0x57: {  	_ =	shalt  }
0x58: {  	_ =	shalt  }
0x59: {  	_ =	shalt  }
0x5a: {  	_ =	shalt  }
0x5b: {  	_ =	shalt  }
0x5c: {  	_ =	shalt  }
0x5d: {  	_ =	shalt  }
0x5e: {  	_ =	shalt  }
0x5f: {  	_ =	shalt  }
0x60: {  	_ =	shalt  }
0x61: {  	_ =	shalt  }
0x62: {  	_ =	shalt  }
0x63: {  	_ =	shalt  }
0x64: {  	_ =	shalt  }
0x65: {  	_ =	shalt  }
0x66: {  	_ =	shalt  }
0x67: {  	_ =	shalt  }
0x68: {  	_ =	shalt  }
0x69: {  	_ =	shalt  }
0x6a: {  	_ =	shalt  }
0x6b: {  	_ =	shalt  }
0x6c: {  	_ =	shalt  }
0x6d: {  	_ =	shalt  }
0x6e: {  	_ =	shalt  }
0x6f: {  	_ =	shalt  }
0x70: {  	_ =	shalt  }
0x71: {  	_ =	shalt  }
0x72: {  	_ =	shalt  }
0x73: {  	_ =	shalt  }
0x74: {  	_ =	shalt  }
0x75: {  	_ =	shalt  }
0x76: {  	_ =	shalt  }
0x77: {  	_ =	shalt  }
0x78: {  	_ =	shalt  }
0x79: {  	_ =	shalt  }
0x7a: {  	_ =	shalt  }
0x7b: {  	_ =	shalt  }
0x7c: {  	_ =	shalt  }
0x7d: {  	_ =	shalt  }
0x7e: {  	_ =	shalt  }
0x7f: {  	_ =	shalt  }
0x80: {  	_ =	shalt  }
0x81: {  	_ =	shalt  }
0x82: {  	_ =	shalt  }
0x83: {  	_ =	shalt  }
0x84: {  	_ =	shalt  }
0x85: {  	_ =	shalt  }
0x86: {  	_ =	shalt  }
0x87: {  	_ =	shalt  }
.Lfunc_end0:
.L_simem_size_0:
called_computation.1_lowered:
.L_overlay_start_0:
0x88: {  	s2 =	sld [smem:$0x3FD9]  }
0x89: {  	s3 =	sld [smem:$0x3FFE];
	_ =	sdelay $0x1  }
0x8a: {  	s1 =	srdreg.scid  }
0x8b: {  	s0 =	sand.u32 $0x1, s1  }
0x8c: {  	s17 =	sshll.u32 s0, $0xA;
	s2 =	sadd.s32 s3, s2  }
0x8d: {  	s2 =	sadd.s32 s2, s17  }
0x8e: {  	[smem:$0x3FC5] =	sst s2  }
0x8f: {  	_ = 	snop  }
0x90: {  	s2 =	sld [smem:$0x3FD0];
	(tm) =	ssettm $0x1  }
0x91: {  	s18 =	sld [smem:$0x3FFB];
	_ =	sdelay $0x3  }
0x92: {  	_ =	strace s18  }
0x93: {  	s3 =	sld [smem:$0x3FFC];
	_ =	sdelay $0x3  }
0x94: {  	_ =	strace s3  }
0x95: {  	s3 =	sld [smem:$0x3FFD];
	_ =	sdelay $0x3  }
0x96: {  	_ =	strace s3  }
0x97: {  	_ =	strace $0x8FFFFFFF  }
0x98: {  	s19 =	sld [smem:$0x3FDB];
	_ =	sdelay $0x1  }
0x99: {  	s4 =	simm.s32 $_scs_section_size  }
0x9a: {  	s5 =	simm.s32 $_size__tile_overlayer_lowered;
	s6 =	simm.s32 $_tile_overlayer_lowered  }
0x9b: {  	s22 =	simm.s32 $0x1BFF;
	s21 =	sshll.u32 s6, $0x1;
	s3 =	sadd.s32 s4, s19  }
0x9c: {  	s7 =	simm.s32 $0x0;
	s20 =	sshll.u32 s5, $0x1;
	s5 =	sadd.s32 s21, s3  }
0x9d: {  	[timem:s7], [sflag:s22] =	dma.local [hbm:s5], s20  }
0x9e: {  	_ =	swait.ge [sflag:s22], s20  }
0x9f: {  	s4 =	ssub.s32 $0x0, s20;
	[sflag:s22] =	ssyncset.done $0x0  }
0xa0: {  	[sflag:s22] =	ssyncadd.s32 s4;
	_ =	sdelay $0x1  }
0xa1: {  	s23 =	simm.s32 $0x1B8B  }
0xa2: {  	_ =	swait.ge [sflag:s23], $0x1  }
0xa3: {  	[sflag:s23] =	ssyncset.done $0x0  }
0xa4: {  	s25 =	simm.s32 $0x1B8E;
	s24 =	sld [smem:$0x3FFE];
	[sflag:s23] =	ssyncadd.s32 $0xFFFFFFFF  }
0xa5: {  	s26 =	simm.s32 $execute0_lowered;
	[smem:$0x3FD2] =	sst s25  }
0xa6: {  	s5 =	sshll.u32 s26, $0x1;
	_ =	strace $0x80000049;
	[dreg:$0x1] =	wrdreg $0xFFFFFFFF  }
0xa7: {  	s28 =	simm.s32 $_size_execute0_lowered;
	s3 =	sadd.s32 s3, s5;
	[dreg:$0x0] =	wrdreg $0x0  }
0xa8: {  	s5 =	sshll.u32 s28, $0x1;
	[dreg:$0x2] =	wrdreg s3  }
0xa9: {  	[dreg:$0x3] =	wrdreg s5  }
0xaa: {  	[dreg:$0x4] =	wrdreg $0xC0  }
0xab: {  	_ =	task [dreg:s7], $0x5FFFF  }
0xac: {  	[dreg:$0x1] =	wrdreg $0xFFFFFFFF  }
0xad: {  	[dreg:$0x0] =	wrdreg $0x60  }
0xae: {  	[dreg:$0x2] =	wrdreg s24  }
0xaf: {  	[dreg:$0x3] =	wrdreg s2  }
0xb0: {  	[dreg:$0x4] =	wrdreg $0x168C00  }
0xb1: {  	[dreg:$0x5] =	wrdreg $0x9  }
0xb2: {  	_ =	task.clear_ibuf [dreg:s7], $0x6FFFF;
	_ =	strace $0x90000049  }
0xb3: {  	s29 =	simm.s32 $0x9;
	_ =	strace $0x8000004B  }
0xb4: {  	_ =	swait.ge [sflag:s29], $0x1  }
0xb5: {  	[sflag:s29] =	ssyncadd.s32 $0xFFFFFFFF  }
0xb6: {  	_ =	strace $0x9000004B  }
0xb7: {  	_ =	sfence  }
0xb8: {  	s30 =	sld [smem:$0x0];
	_ =	sdelay $0x2  }
0xb9: {  	s31 =	sshll.u32 s1, $0xD;
	s1 =	sshrl.u32 s1, $0x2  }
0xba: {  	s3 =	sand.u32 $0x4000, s31;
	s1 =	sadd.s32 s1, s30  }
0xbb: {  	s0 =	sor.u32 s3, s0;
	s1 =	sshll.u32 s1, $0x11  }
0xbc: {  	s0 =	sor.u32 s1, s0  }
0xbd: {  	s0 =	sadd.s32 $0x8F2B, s0  }
0xbe: {  	[sflag:s0] =	ssyncadd.remote.s32 $0x1  }
0xbf: {  	_ =	sfence.sel $0xFFFF  }
0xc0: {  	[dreg:$0x0] =	wrdreg $0xFFFFFFFF;
	(pc) =	sbr.abs _section_cstart, $3  }
0xc1: {  	[dreg:$0x1] =	wrdreg $0xFFFFFFFF  }
0xc2: {  	_ =	task.clear_ibuf [dreg:s7], $0x2FFFF;
	_ =	strace $0x9FFFFFFF  }
0xc3: {  	(tm) =	ssettm $0x7FFFFFFF  }
tec
execute0_lowered:
.L_overlay_start_1:
0x0: {  	(tag) =	ssettag $0x1  }
0x1: {  	s0 =	rddreg [dreg:$0x0];
	s1 =	srdreg.scid  }
0x2: {  	s8 =	rddreg [dreg:$0x1];
	s10 =	stileid.u32  }
0x3: {  	s2 =	rddreg [dreg:$0x2];
	s3 =	simm.s32 $0x0;
	s11 =	simm.s32 $0x1000  }
0x4: {  	s12 =	simm.s32 $0x9;
	s14 =	simm.s32 $0x14800;
	s15 =	simm.s32 $0xC800  }
0x5: {  	s16 =	simm.s32 $0xE800;
	s18 =	simm.s32 $0x10800;
	s20 =	simm.s32 $0x12800  }
0x6: {  	s21 =	simm.s32 $0x1;
	s22 =	simm.s32 $0x5;
	s23 =	simm.s32 $0x2  }
0x7: {  	s24 =	simm.s32 $0x6;
	s25 =	simm.s32 $0x3;
	s28 =	simm.s32 $0x4  }
0x8: {  	s29 =	simm.s32 $0x8;
	s13 =	simm.s32 $0x0;
	s1 =	sand.u32 $0x1, s1  }
0x9: {  	s4 =	sshll.u32 s10, $0x8;
	[smem:$0x7FF] =	sst s3;
	s9 =	smul.u32 $0x8100, s10  }
0xa: {  	s30 =	smul.u32 $0x81, s10;
	s10 =	simm.s32 $0x80;
	s5 =	sshll.u32 s1, $0x7  }
0xb: {  	_ =	strace $0x8000004A;
	s1 =	ssub.s32 $0x2, s1;
	s7 =	sor.u32 s5, s4  }
0xc: {  	s26 =	sshrl.u32 s1, $0x1;
	s9 =	sshrl.u32 s9, $0x2;
	s4 =	sshrl.u32 s7, $0x3  }
0xd: {  	v0 =	vlaneseq.u32;
	s31 =	sshll.u32 s7, $0x3;
	s7 =	sadd.s32 s9, s2;
	s6 =	sadd.s32 s4, s0  }
0xe: {  	v2 =	vimm.f32 $0.0e+00;
	v3 =	vor.u32 $0x10, v0;
	v4 =	vor.u32 $0x20, v0;
	s4 =	sadd.s32 $0xF75000, s0;
	s0 =	ssub.s32 s1, s26;
	s8 =	sadd.s32 s8, s31  }
0xf: {  	v5 =	vor.u32 $0x30, v0;
	v6 =	vor.u32 $0x40, v0;
	v7 =	vor.u32 $0x50, v0;
	s26 =	simm.s32 $0x7;
	s1 =	simm.s32 $0xC700;
	s5 =	sadd.s32 $0xF5C000, s6  }
0x10: {  	v8 =	vor.u32 $0x60, v0;
	v9 =	vor.u32 $0x70, v0;
	v1 =	vmov s30;
	s6 =	sadd.s32 $0xF43000, s6;
	s9 =	smax.u32 s0, $0x1;
	s0 =	simm.s32 $0xC780  }
.LBB2_1:
0x11: {  	[tilespmem:s3], [sflag:$0x9] =	stream.strided.gather [hbm4b:s5+s10], $0x6400, s11, s10, $0x38;
	[tilespmem:$0x18900] =	vst v63  }
0x12: {  	_ =	swait.ge [sflag:s12], $0x6400  }
0x13: {  	[sflag:s12] =	ssyncset.done $0x0  }
0x14: {  	s17 =	simm.s32 $0x6400;
	[sflag:s12] =	ssyncadd.s32 $0xFFFF9C00  }
0x15: {  	[tilespmem:s17], [sflag:$0x9] =	stream.strided.gather [hbm4b:s6+s10], $0x6400, s11, s10, $0x38;
	[tilespmem:$0x18900] =	vst v63  }
0x16: {  	_ =	swait.ge [sflag:s12], $0x6400  }
0x17: {  	[sflag:s12] =	ssyncset.done $0x0  }
0x18: {  	s19 =	simm.s32 $0x100;
	s17 =	simm.s32 $0x0;
	[sflag:s12] =	ssyncadd.s32 $0xFFFF9C00  }
.LBB2_2:
0x19: {  	p0 =	sne.s32 s19, $0x8000;
	[tilespmem:s17+$0x14830] =	vst v2;
	s30 =	smov.u32 s19;
	s19 =	sadd.s32 $0x100, s19  }
.Ltmp0:
0x1a: {  	[tilespmem:s17+$0x14820] =	vst v2;
	(pc) =	sbr.rel @p0 .LBB2_2-.Ltmp0, $3  }
0x1b: {  	[tilespmem:s17+$0x14800] =	vst v2  }
0x1c: {  	[tilespmem:s17+$0x14810] =	vst v2;
	_ =	sdelay $0x1  }
0x1d: {  	s17 =	sshra.s32 s30, $0x2  }
0x1e: {  	[tilespmem:s17+$0x14830] =	vst v2  }
0x1f: {  	[tilespmem:s17+$0x14820] =	vst v2  }
0x20: {  	[tilespmem:s17+$0x14800] =	vst v2  }
0x21: {  	[tilespmem:s17+$0x14810] =	vst v2  }
0x22: {  	[spmem:s7] =	stream.linear.scatter [tilespmem:s14], [sflag:$0x9], $0x2040, $0x38;
	[tilespmem:$0x18900] =	vst v63  }
0x23: {  	_ =	swait.ge [sflag:s12], $0x2040  }
0x24: {  	[sflag:s12] =	ssyncset.done $0x0  }
0x25: {  	s17 =	simm.s32 $0x0;
	[sflag:s12] =	ssyncadd.s32 $0xFFFFDFC0  }
0x26: {  	v10 =	vld [tilespmem:s17+$0x0]  }
0x27: {  	v11 =	vld [tilespmem:s17+$0x10]  }
0x28: {  	v12 =	vld [tilespmem:s17+$0x20]  }
0x29: {  	v13 =	vld [tilespmem:s17+$0x30]  }
0x2a: {  	v18 =	vld [tilespmem:s17+$0x60]  }
0x2b: {  	v22 =	vld [tilespmem:s17+$0x70]  }
0x2c: {  	v20 =	vld [tilespmem:s17+$0x6400]  }
0x2d: {  	v23 =	vld [tilespmem:s17+$0x6410]  }
0x2e: {  	v14 =	vld [tilespmem:s17+$0x40];
	v10 =	vshll.u32 v10, $0x1  }
0x2f: {  	v17 =	vld [tilespmem:s17+$0x50];
	[tilespmem:s17+$0x0] =	vst v10;
	v10 =	vshll.u32 v11, $0x1  }
0x30: {  	v15 =	vimm.s32 $0x0;
	v11 =	vshll.u32 v18, $0x1;
	[tilespmem:s17+$0x10] =	vst v10  }
0x31: {  	v19 =	vld [tilespmem:s17+$0x6420];
	vm0 =	veq.s32 v20, $0x0;
	v24 =	vshll.u32 v22, $0x1;
	v10 =	vshll.u32 v12, $0x1;
	[tilespmem:s17+$0x60] =	vst v11  }
0x32: {  	v21 =	vld [tilespmem:s17+$0x6430];
	v25 =	vsel vm0, $0x80, v0;
	vm0 =	veq.s32 v23, $0x0;
	[tilespmem:s17+$0x20] =	vst v10;
	v10 =	vshll.u32 v13, $0x1  }
0x33: {  	v16 =	vld [tilespmem:s17+$0x6440];
	v18 =	vimm.s32 $0x0;
	v12 =	vimm.s32 $0x0;
	[tilespmem:s17+$0x30] =	vst v10;
	v10 =	vshll.u32 v14, $0x1  }
0x34: {  	v11 =	vimm.s32 $0x0;
	v14 =	vadd.s32 v15, v20;
	v20 =	vld [tilespmem:s17+$0x6450];
	[tilespmem:s17+$0x40] =	vst v10;
	v10 =	vshll.u32 v17, $0x1  }
0x35: {  	s19 =	simm.s32 $0x200;
	v22 =	vld [tilespmem:s17+$0x6460];
	v13 =	vimm.s32 $0x0;
	v17 =	vimm.s32 $0x0;
	[tilespmem:s17+$0x50] =	vst v10;
	v10 =	vimm.s32 $0x0  }
.LBB2_4:
0x36: {  	s30 =	sshra.s32 s19, $0x2;
	p0 =	sne.s32 s19, $0x18E00;
	v25 =	vadd.s32 v1, v25;
	v26 =	vsel vm0, $0x80, v3;
	vm0 =	veq.s32 v19, $0x0;
	v27 =	vld [tilespmem:s17+$0x6470];
	[tilespmem:s17+$0x70] =	vst v24  }
0x37: {  	v24 =	vld [tilespmem:s30+$0x0];
	[tilespmem:s17+$0x6400] =	vst v25;
	v25 =	vadd.s32 v1, v26;
	v26 =	vsel vm0, $0x80, v4;
	vm0 =	veq.s32 v21, $0x0  }
0x38: {  	v28 =	vld [tilespmem:s30+$0x10];
	[tilespmem:s17+$0x6410] =	vst v25;
	v25 =	vadd.s32 v1, v26;
	v26 =	vsel vm0, $0x80, v5;
	vm0 =	veq.s32 v16, $0x0  }
0x39: {  	v29 =	vld [tilespmem:s30+$0x20];
	[tilespmem:s17+$0x6420] =	vst v25;
	v25 =	vadd.s32 v1, v26;
	v26 =	vsel vm0, $0x80, v6;
	vm0 =	veq.s32 v20, $0x0  }
0x3a: {  	v30 =	vld [tilespmem:s30+$0x30];
	[tilespmem:s17+$0x6430] =	vst v25;
	v25 =	vadd.s32 v1, v26;
	v26 =	vsel vm0, $0x80, v7;
	vm0 =	veq.s32 v22, $0x0  }
0x3b: {  	v31 =	vld [tilespmem:s30+$0x40];
	[tilespmem:s17+$0x6440] =	vst v25;
	v25 =	vadd.s32 v1, v26;
	v26 =	vsel vm0, $0x80, v8;
	vm0 =	veq.s32 v27, $0x0  }
0x3c: {  	v15 =	vadd.s32 v15, v23;
	v32 =	vld [tilespmem:s30+$0x50];
	[tilespmem:s17+$0x6450] =	vst v25;
	v23 =	vadd.s32 v1, v26;
	v25 =	vsel vm0, $0x80, v9  }
0x3d: {  	v18 =	vadd.s32 v18, v19;
	v17 =	vadd.s32 v17, v21;
	v26 =	vld [tilespmem:s30+$0x60];
	[tilespmem:s17+$0x6460] =	vst v23;
	v19 =	vadd.s32 v1, v25  }
0x3e: {  	v13 =	vadd.s32 v13, v16;
	v12 =	vadd.s32 v12, v20;
	v21 =	vshll.u32 v24, $0x1;
	v24 =	vld [tilespmem:s30+$0x70];
	[tilespmem:s17+$0x6470] =	vst v19;
	s17 =	smov.u32 s30  }
0x3f: {  	v11 =	vadd.s32 v11, v22;
	v10 =	vadd.s32 v10, v27;
	v16 =	vshll.u32 v28, $0x1;
	v20 =	vld [tilespmem:s17+$0x6400];
	[tilespmem:s17+$0x0] =	vst v21  }
0x40: {  	v23 =	vld [tilespmem:s17+$0x6410];
	[tilespmem:s17+$0x10] =	vst v16;
	v16 =	vshll.u32 v29, $0x1  }
.Ltmp1:
0x41: {  	v19 =	vld [tilespmem:s17+$0x6420];
	[tilespmem:s17+$0x20] =	vst v16;
	v16 =	vshll.u32 v30, $0x1;
	(pc) =	sbr.rel @p0 .LBB2_4-.Ltmp1, $4  }
0x42: {  	v22 =	vshll.u32 v31, $0x1;
	v21 =	vld [tilespmem:s17+$0x6430];
	[tilespmem:s17+$0x30] =	vst v16  }
0x43: {  	v16 =	vld [tilespmem:s17+$0x6440];
	[tilespmem:s17+$0x40] =	vst v22;
	v22 =	vshll.u32 v32, $0x1  }
0x44: {  	v26 =	vshll.u32 v26, $0x1;
	vm0 =	veq.s32 v20, $0x0;
	v14 =	vadd.s32 v14, v20;
	v20 =	vld [tilespmem:s17+$0x6450];
	[tilespmem:s17+$0x50] =	vst v22  }
0x45: {  	s19 =	sadd.s32 $0x200, s19;
	v24 =	vshll.u32 v24, $0x1;
	v25 =	vsel vm0, $0x80, v0;
	vm0 =	veq.s32 v23, $0x0;
	v22 =	vld [tilespmem:s17+$0x6460];
	[tilespmem:s17+$0x60] =	vst v26  }
0x46: {  	vm1 =	veq.s32 v19, $0x0;
	v26 =	vsel vm0, $0x80, v3;
	v25 =	vadd.s32 v1, v25  }
0x47: {  	v15 =	vadd.s32 v15, v23;
	v18 =	vadd.s32 v18, v19;
	v14 =	vcvt.s32.f32 v14  }
0x48: {  	v27 =	vsel vm1, $0x80, v4;
	v26 =	vadd.s32 v1, v26;
	vm11 =	veq.s32 v21, $0x0  }
0x49: {  	v17 =	vadd.s32 v17, v21;
	v58 =	vcvt.s32.f32 v15;
	v18 =	vcvt.s32.f32 v18  }
0x4a: {  	v27 =	vadd.s32 v1, v27;
	v55 =	vsel vm11, $0x80, v5;
	vm12 =	veq.s32 v16, $0x0  }
0x4b: {  	v57 =	vld [tilespmem:s17+$0x6470];
	(erf) = vrcp.f32 v14;
	v13 =	vadd.s32 v13, v16;
	v60 =	vcvt.s32.f32 v17  }
0x4c: {  	v23 =	vadd.s32 v1, v55;
	v56 =	vsel vm12, $0x80, v6;
	vm13 =	veq.s32 v20, $0x0  }
0x4d: {  	(erf) = vrcp.f32 v58;
	v12 =	vadd.s32 v12, v20;
	v13 =	vcvt.s32.f32 v13  }
0x4e: {  	[tilespmem:s17+$0x70] =	vst v24;
	v19 =	vadd.s32 v1, v56;
	v59 =	vsel vm13, $0x80, v7;
	vm14 =	veq.s32 v22, $0x0  }
0x4f: {  	[tilespmem:s17+$0x6400] =	vst v25;
	(erf) = vrcp.f32 v18;
	v11 =	vadd.s32 v11, v22;
	v12 =	vcvt.s32.f32 v12  }
0x50: {  	[tilespmem:s17+$0x6410] =	vst v26;
	(erf) = vrcp.f32 v60;
	v10 =	vadd.s32 v10, v57;
	v11 =	vcvt.s32.f32 v11  }
0x51: {  	[tilespmem:s17+$0x6420] =	vst v27;
	v61 =	vadd.s32 v1, v59;
	v62 =	vsel vm14, $0x80, v8;
	(erf) = vrcp.f32 v13  }
0x52: {  	[tilespmem:s17+$0x6430] =	vst v23;
	vm15 =	veq.s32 v57, $0x0;
	v10 =	vcvt.s32.f32 v10;
	(erf) = vrcp.f32 v12  }
0x53: {  	[tilespmem:s17+$0x6440] =	vst v19;
	v63 =	vsel vm15, $0x80, v9;
	(erf) = vrcp.f32 v11;
	v11 =	vadd.s32 v1, v62  }
0x54: {  	[tilespmem:s17+$0x6450] =	vst v61;
	(erf) = vrcp.f32 v10;
	v10 =	vadd.s32 v1, v63  }
0x55: {  	[tilespmem:s17+$0x6460] =	vst v11  }
0x56: {  	[tilespmem:s17+$0x6470] =	vst v10;
	v11 =	vpop (erf)  }
0x57: {  	v10 =	vpop (erf);
	[tilespmem:$0x16840] =	vst v11  }
0x58: {  	v11 =	vpop (erf);
	[tilespmem:$0x16850] =	vst v10  }
0x59: {  	v10 =	vpop (erf);
	[tilespmem:$0x16860] =	vst v11  }
0x5a: {  	v11 =	vpop (erf);
	[tilespmem:$0x16870] =	vst v10  }
0x5b: {  	v10 =	vpop (erf);
	[tilespmem:$0x16880] =	vst v11  }
0x5c: {  	v11 =	vpop (erf);
	[tilespmem:$0x16890] =	vst v10  }
0x5d: {  	[tilespmem:$0x168A0] =	vst v11;
	v10 =	vpop (erf)  }
0x5e: {  	s31 =	simm.s32 $0x0;
	[tilespmem:$0x168B0] =	vst v10  }
0x5f: {  	[tilespmem:s15], [sflag:$0x1] =	stream.indirect.gather [hbm4b:s4+s10], $0x40, s31, s10, $0xb8;
	[tilespmem:$0x18900] =	vst v63  }
0x60: {  	_ = 	snop  }
0x61: {  	[tilespmem:s16], [sflag:$0x2] =	stream.indirect.gather [hbm4b:s4+s10], $0x40, s10, s10, $0xb8;
	[tilespmem:$0x18900] =	vst v63  }
0x62: {  	s19 =	simm.s32 $0x100  }
0x63: {  	[tilespmem:s18], [sflag:$0x3] =	stream.indirect.gather [hbm4b:s4+s10], $0x40, s19, s10, $0xb8;
	[tilespmem:$0x18900] =	vst v63  }
0x64: {  	s30 =	simm.s32 $0x180  }
0x65: {  	[tilespmem:s20], [sflag:$0x4] =	stream.indirect.gather [hbm4b:s4+s10], $0x40, s30, s10, $0xb8;
	[tilespmem:$0x18900] =	vst v63  }
0x66: {  	_ =	swait.ge [sflag:s21], $0x2000  }
0x67: {  	[sflag:s21] =	ssyncset.done $0x0  }
0x68: {  	s31 =	simm.s32 $0x6400;
	[sflag:s21] =	ssyncadd.s32 $0xFFFFE000  }
0x69: {  	[spmem:s2] =	stream.indirect.scatter.add.f32 [tilespmem:s15], [sflag:$0x5], $0x40, s31, s10, $0xb8;
	[tilespmem:$0x18900] =	vst v63  }
0x6a: {  	_ =	swait.ge [sflag:s22], $0x2000  }
0x6b: {  	[sflag:s22] =	ssyncset.done $0x0  }
0x6c: {  	s19 =	simm.s32 $0x200;
	[sflag:s22] =	ssyncadd.s32 $0xFFFFE000  }
0x6d: {  	[tilespmem:s15], [sflag:$0x1] =	stream.indirect.gather [hbm4b:s4+s10], $0x40, s19, s10, $0xb8;
	[tilespmem:$0x18900] =	vst v63  }
0x6e: {  	_ =	swait.ge [sflag:s23], $0x2000  }
0x6f: {  	[sflag:s23] =	ssyncset.done $0x0  }
0x70: {  	s30 =	simm.s32 $0x6480;
	[sflag:s23] =	ssyncadd.s32 $0xFFFFE000  }
0x71: {  	[spmem:s2] =	stream.indirect.scatter.add.f32 [tilespmem:s16], [sflag:$0x6], $0x40, s30, s10, $0xb8;
	[tilespmem:$0x18900] =	vst v63  }
0x72: {  	_ =	swait.ge [sflag:s24], $0x2000  }
0x73: {  	[sflag:s24] =	ssyncset.done $0x0  }
0x74: {  	s31 =	simm.s32 $0x280;
	[sflag:s24] =	ssyncadd.s32 $0xFFFFE000  }
0x75: {  	[tilespmem:s16], [sflag:$0x2] =	stream.indirect.gather [hbm4b:s4+s10], $0x40, s31, s10, $0xb8;
	[tilespmem:$0x18900] =	vst v63  }
0x76: {  	_ =	swait.ge [sflag:s25], $0x2000  }
0x77: {  	[sflag:s25] =	ssyncset.done $0x0  }
0x78: {  	s19 =	simm.s32 $0x6500;
	[sflag:s25] =	ssyncadd.s32 $0xFFFFE000  }
0x79: {  	[spmem:s2] =	stream.indirect.scatter.add.f32 [tilespmem:s18], [sflag:$0x7], $0x40, s19, s10, $0xb8;
	[tilespmem:$0x18900] =	vst v63  }
0x7a: {  	_ =	swait.ge [sflag:s26], $0x2000  }
0x7b: {  	[sflag:s26] =	ssyncset.done $0x0  }
0x7c: {  	s30 =	simm.s32 $0x300;
	[sflag:s26] =	ssyncadd.s32 $0xFFFFE000  }
0x7d: {  	[tilespmem:s18], [sflag:$0x3] =	stream.indirect.gather [hbm4b:s4+s10], $0x40, s30, s10, $0xb8;
	[tilespmem:$0x18900] =	vst v63  }
0x7e: {  	_ =	swait.ge [sflag:s28], $0x2000  }
0x7f: {  	[sflag:s28] =	ssyncset.done $0x0  }
0x80: {  	s31 =	simm.s32 $0x6580;
	[sflag:s28] =	ssyncadd.s32 $0xFFFFE000  }
0x81: {  	[spmem:s2] =	stream.indirect.scatter.add.f32 [tilespmem:s20], [sflag:$0x8], $0x40, s31, s10, $0xb8;
	[tilespmem:$0x18900] =	vst v63  }
0x82: {  	_ =	swait.ge [sflag:s29], $0x2000  }
0x83: {  	[sflag:s29] =	ssyncset.done $0x0  }
0x84: {  	s17 =	simm.s32 $0x800;
	s19 =	simm.s32 $0x380;
	[sflag:s29] =	ssyncadd.s32 $0xFFFFE000  }
.LBB2_6:
0x85: {  	[tilespmem:s20], [sflag:$0x4] =	stream.indirect.gather [hbm4b:s4+s10], $0x40, s19, s10, $0xb8;
	[tilespmem:$0x18900] =	vst v63  }
0x86: {  	s19 =	smov.u32 s17  }
0x87: {  	p0 =	sne.s32 s17, $0x18000;
	s17 =	sadd.s32 $0x800, s17;
	_ =	swait.ge [sflag:s21], $0x2000  }
0x88: {  	s19 =	sshra.s32 s19, $0x2;
	[sflag:s21] =	ssyncset.done $0x0  }
0x89: {  	s30 =	sadd.s32 $0x6400, s19;
	[sflag:s21] =	ssyncadd.s32 $0xFFFFE000  }
0x8a: {  	[spmem:s2] =	stream.indirect.scatter.add.f32 [tilespmem:s15], [sflag:$0x5], $0x40, s30, s10, $0xb8;
	[tilespmem:$0x18900] =	vst v63  }
0x8b: {  	_ =	swait.ge [sflag:s22], $0x2000  }
0x8c: {  	[sflag:s22] =	ssyncset.done $0x0  }
0x8d: {  	s30 =	sadd.s32 $0x200, s19;
	[sflag:s22] =	ssyncadd.s32 $0xFFFFE000  }
0x8e: {  	[tilespmem:s15], [sflag:$0x1] =	stream.indirect.gather [hbm4b:s4+s10], $0x40, s30, s10, $0xb8;
	[tilespmem:$0x18900] =	vst v63  }
0x8f: {  	_ =	swait.ge [sflag:s23], $0x2000  }
0x90: {  	[sflag:s23] =	ssyncset.done $0x0  }
0x91: {  	s30 =	sadd.s32 $0x6480, s19;
	[sflag:s23] =	ssyncadd.s32 $0xFFFFE000  }
0x92: {  	[spmem:s2] =	stream.indirect.scatter.add.f32 [tilespmem:s16], [sflag:$0x6], $0x40, s30, s10, $0xb8;
	[tilespmem:$0x18900] =	vst v63  }
0x93: {  	_ =	swait.ge [sflag:s24], $0x2000  }
0x94: {  	[sflag:s24] =	ssyncset.done $0x0  }
0x95: {  	s30 =	sadd.s32 $0x280, s19;
	[sflag:s24] =	ssyncadd.s32 $0xFFFFE000  }
0x96: {  	[tilespmem:s16], [sflag:$0x2] =	stream.indirect.gather [hbm4b:s4+s10], $0x40, s30, s10, $0xb8;
	[tilespmem:$0x18900] =	vst v63  }
0x97: {  	_ =	swait.ge [sflag:s25], $0x2000  }
0x98: {  	[sflag:s25] =	ssyncset.done $0x0  }
0x99: {  	s30 =	sadd.s32 $0x6500, s19;
	[sflag:s25] =	ssyncadd.s32 $0xFFFFE000  }
0x9a: {  	[spmem:s2] =	stream.indirect.scatter.add.f32 [tilespmem:s18], [sflag:$0x7], $0x40, s30, s10, $0xb8;
	[tilespmem:$0x18900] =	vst v63  }
0x9b: {  	_ =	swait.ge [sflag:s26], $0x2000  }
0x9c: {  	[sflag:s26] =	ssyncset.done $0x0  }
0x9d: {  	s30 =	sadd.s32 $0x300, s19;
	[sflag:s26] =	ssyncadd.s32 $0xFFFFE000  }
0x9e: {  	[tilespmem:s18], [sflag:$0x3] =	stream.indirect.gather [hbm4b:s4+s10], $0x40, s30, s10, $0xb8;
	[tilespmem:$0x18900] =	vst v63  }
0x9f: {  	_ =	swait.ge [sflag:s28], $0x2000  }
0xa0: {  	[sflag:s28] =	ssyncset.done $0x0  }
.Ltmp2:
0xa1: {  	s30 =	sadd.s32 $0x6580, s19;
	[sflag:s28] =	ssyncadd.s32 $0xFFFFE000;
	(pc) =	sbr.rel @p0 .LBB2_6-.Ltmp2, $4  }
0xa2: {  	[spmem:s2] =	stream.indirect.scatter.add.f32 [tilespmem:s20], [sflag:$0x8], $0x40, s30, s10, $0xb8;
	[tilespmem:$0x18900] =	vst v63  }
0xa3: {  	_ =	swait.ge [sflag:s29], $0x2000  }
0xa4: {  	[sflag:s29] =	ssyncset.done $0x0  }
0xa5: {  	s19 =	sadd.s32 $0x380, s19;
	[sflag:s29] =	ssyncadd.s32 $0xFFFFE000  }
0xa6: {  	[tilespmem:s20], [sflag:$0x4] =	stream.indirect.gather [hbm4b:s4+s10], $0x40, s19, s10, $0xb8;
	[tilespmem:$0x18900] =	vst v63  }
0xa7: {  	_ =	swait.ge [sflag:s21], $0x2000  }
0xa8: {  	[sflag:s21] =	ssyncset.done $0x0  }
0xa9: {  	s17 =	simm.s32 $0xC600;
	[sflag:s21] =	ssyncadd.s32 $0xFFFFE000  }
0xaa: {  	[spmem:s2] =	stream.indirect.scatter.add.f32 [tilespmem:s15], [sflag:$0x5], $0x40, s17, s10, $0xb8;
	[tilespmem:$0x18900] =	vst v63  }
0xab: {  	_ =	swait.ge [sflag:s22], $0x2000  }
0xac: {  	[sflag:s22] =	ssyncset.done $0x0  }
0xad: {  	[sflag:s22] =	ssyncadd.s32 $0xFFFFE000  }
0xae: {  	_ =	swait.ge [sflag:s23], $0x2000  }
0xaf: {  	[sflag:s23] =	ssyncset.done $0x0  }
0xb0: {  	s19 =	simm.s32 $0xC680;
	[sflag:s23] =	ssyncadd.s32 $0xFFFFE000  }
0xb1: {  	[spmem:s2] =	stream.indirect.scatter.add.f32 [tilespmem:s16], [sflag:$0x6], $0x40, s19, s10, $0xb8;
	[tilespmem:$0x18900] =	vst v63  }
0xb2: {  	_ =	swait.ge [sflag:s24], $0x2000  }
0xb3: {  	[sflag:s24] =	ssyncset.done $0x0  }
0xb4: {  	[sflag:s24] =	ssyncadd.s32 $0xFFFFE000  }
0xb5: {  	_ =	swait.ge [sflag:s25], $0x2000  }
0xb6: {  	[sflag:s25] =	ssyncset.done $0x0  }
0xb7: {  	[sflag:s25] =	ssyncadd.s32 $0xFFFFE000  }
0xb8: {  	[spmem:s2] =	stream.indirect.scatter.add.f32 [tilespmem:s18], [sflag:$0x7], $0x40, s1, s10, $0xb8;
	[tilespmem:$0x18900] =	vst v63  }
0xb9: {  	_ =	swait.ge [sflag:s26], $0x2000  }
0xba: {  	[sflag:s26] =	ssyncset.done $0x0  }
0xbb: {  	[sflag:s26] =	ssyncadd.s32 $0xFFFFE000  }
0xbc: {  	_ =	swait.ge [sflag:s28], $0x2000  }
0xbd: {  	[sflag:s28] =	ssyncset.done $0x0  }
0xbe: {  	[sflag:s28] =	ssyncadd.s32 $0xFFFFE000  }
0xbf: {  	[spmem:s2] =	stream.indirect.scatter.add.f32 [tilespmem:s20], [sflag:$0x8], $0x40, s0, s10, $0xb8;
	[tilespmem:$0x18900] =	vst v63  }
0xc0: {  	_ =	swait.ge [sflag:s29], $0x2000  }
0xc1: {  	[sflag:s29] =	ssyncset.done $0x0  }
0xc2: {  	[sflag:s29] =	ssyncadd.s32 $0xFFFFE000  }
0xc3: {  	[tilespmem:s14], [sflag:$0x9] =	stream.linear.gather [spmem:s7], $0x2000, $0x38;
	[tilespmem:$0x18900] =	vst v63  }
0xc4: {  	_ =	swait.ge [sflag:s12], $0x2000  }
0xc5: {  	s17 =	simm.s32 $0x0;
	[sflag:s12] =	ssyncset.done $0x0  }
0xc6: {  	s19 =	sand.u32 $0x70, s17;
	[sflag:s12] =	ssyncadd.s32 $0xFFFFE000  }
0xc7: {  	v10 =	vld [tilespmem:s19+$0x16840];
	_ =	sdelay $0x1  }
0xc8: {  	s17 =	sand.u32 $0xF, s17  }
0xc9: {  	v11 =	vmov s17  }
0xca: {  	vm0 =	veq.s32 v11, v0  }
0xcb: {  	v10 =	vnsel vm0, $0x0, v10  }
0xcc: {  	(xrf2) =	vadd.scan.msk.f32 $0xffff, v10;
	_ =	sdelay $0x6  }
0xcd: {  	s17 =	simm.s32 $0x14820  }
0xce: {  	v10 =	vld [tilespmem:s17+$0xFFFFFFE0]  }
0xcf: {  	v11 =	vld [tilespmem:s17+$0xFFFFFFF0]  }
0xd0: {  	v12 =	vld [tilespmem:s17+$0x0];
	v13, _, _ =	vpop (xrf2)  }
0xd1: {  	v14 =	vld [tilespmem:s17+$0x10];
	v13 =	vbroadcast v13, $0xF;
	_ =	sdelay $0x1  }
0xd2: {  	v10 =	vmul.f32 v13, v10  }
0xd3: {  	v11 =	vmul.f32 v13, v11  }
0xd4: {  	v12 =	vmul.f32 v12, v13;
	[tilespmem:s17+$0xFFFFFFE0] =	vst v10  }
0xd5: {  	v10 =	vmul.f32 v14, v13;
	[tilespmem:s17+$0xFFFFFFF0] =	vst v11  }
0xd6: {  	s19 =	simm.s32 $0x1;
	[tilespmem:s17+$0x0] =	vst v12  }
0xd7: {  	s30 =	simm.s32 $0x2;
	s31 =	sand.u32 $0x70, s19;
	[tilespmem:s17+$0x10] =	vst v10  }
.LBB2_8:
0xd8: {  	p0 =	sne.s32 s30, $0x7F;
	v10 =	vld [tilespmem:s31+$0x16840];
	_ =	sdelay $0x1  }
0xd9: {  	s31 =	sand.u32 $0xF, s19;
	s19 =	smov.u32 s30  }
0xda: {  	v11 =	vmov s31  }
0xdb: {  	vm0 =	veq.s32 v11, v0  }
0xdc: {  	v10 =	vnsel vm0, $0x0, v10  }
0xdd: {  	(xrf2) =	vadd.scan.msk.f32 $0xffff, v10;
	_ =	sdelay $0x4  }
0xde: {  	s17 =	sadd.s32 $0x40, s17  }
0xdf: {  	v10 =	vld [tilespmem:s17+$0xFFFFFFF0]  }
0xe0: {  	v11 =	vld [tilespmem:s17+$0x10]  }
0xe1: {  	v12 =	vld [tilespmem:s17+$0xFFFFFFE0]  }
0xe2: {  	v13 =	vld [tilespmem:s17+$0x0]  }
0xe3: {  	v14, _, _ =	vpop (xrf2)  }
0xe4: {  	v14 =	vbroadcast v14, $0xF;
	_ =	sdelay $0x1  }
0xe5: {  	v12 =	vmul.f32 v14, v12;
	v10 =	vmul.f32 v14, v10  }
.Ltmp3:
0xe6: {  	v11 =	vmul.f32 v11, v14;
	v13 =	vmul.f32 v13, v14;
	(pc) =	sbr.rel @p0 .LBB2_8-.Ltmp3, $4  }
0xe7: {  	[tilespmem:s17+$0xFFFFFFE0] =	vst v12  }
0xe8: {  	[tilespmem:s17+$0xFFFFFFF0] =	vst v10  }
0xe9: {  	[tilespmem:s17+$0x0] =	vst v13  }
0xea: {  	s30 =	sadd.s32 $0x1, s30;
	s31 =	sand.u32 $0x70, s19;
	[tilespmem:s17+$0x10] =	vst v11  }
0xeb: {  	v10 =	vld [tilespmem:s31+$0x16840];
	_ =	sdelay $0x1  }
0xec: {  	s19 =	sand.u32 $0xF, s19  }
0xed: {  	v11 =	vmov s19  }
0xee: {  	vm0 =	veq.s32 v11, v0  }
0xef: {  	v10 =	vnsel vm0, $0x0, v10  }
0xf0: {  	(xrf2) =	vadd.scan.msk.f32 $0xffff, v10;
	_ =	sdelay $0x6  }
0xf1: {  	s17 =	sadd.s32 $0x40, s17  }
0xf2: {  	v10 =	vld [tilespmem:s17+$0xFFFFFFE0]  }
0xf3: {  	v11 =	vld [tilespmem:s17+$0xFFFFFFF0]  }
0xf4: {  	v12 =	vld [tilespmem:s17+$0x0];
	v13, _, _ =	vpop (xrf2)  }
0xf5: {  	v14 =	vld [tilespmem:s17+$0x10];
	v13 =	vbroadcast v13, $0xF;
	_ =	sdelay $0x1  }
0xf6: {  	v10 =	vmul.f32 v13, v10  }
0xf7: {  	v11 =	vmul.f32 v13, v11  }
0xf8: {  	v12 =	vmul.f32 v12, v13;
	[tilespmem:s17+$0xFFFFFFE0] =	vst v10  }
0xf9: {  	s13 =	sadd.s32 $0x1, s13;
	v10 =	vmul.f32 v14, v13;
	[tilespmem:s17+$0xFFFFFFF0] =	vst v11  }
0xfa: {  	p0 =	sne.s32 s13, s9;
	[tilespmem:s17+$0x0] =	vst v12  }
.Ltmp4:
0xfb: {  	[tilespmem:s17+$0x10] =	vst v10;
	(pc) =	sbr.rel @p0 .LBB2_1-.Ltmp4, $4  }
0xfc: {  	[hbm4b:s8+s3] =	stream.linear.scatter [tilespmem:s14], [sflag:$0x9], $0x2000, $0x38;
	[tilespmem:$0x18900] =	vst v63  }
0xfd: {  	_ =	swait.ge [sflag:s12], $0x2000  }
0xfe: {  	[sflag:s12] =	ssyncset.done $0x0  }
0xff: {  	[sflag:s12] =	ssyncadd.s32 $0xFFFFE000  }
0x100: {  	_ =	sfence.sel $0x180000  }
0x101: {  	[bflag:$0x0] =	sbarrier.arrive $0xFFFF  }
0x102: {  	_ =	strace $0x9000004A  }
0x103: {  	s0 =	stileid.u32;
	[bflag:$0x2] =	sbarrier.arrive $0xFFFF  }
0x104: {  	p0 =	sne.s32 s0, $0x0;
	s0 =	rddreg [dreg:$0x3]  }
0x105: {  	s0 =	sadd.s32 @!p0 $0x100000, s0  }
0x106: {  	[sflag:s0] =	ssyncadd.tile.s32 @!p0 $0x1;
	_ =	shalt  }
.Lfunc_end2:
_tile_overlayer_lowered:
.L_overlay_start_2:
0x107: {  	(tag) =	ssettag $0x2  }
0x108: {  	s0 =	rddreg [dreg:$0x0];
	s2 =	stileid.u32  }
0x109: {  	s1 =	rddreg [dreg:$0x1];
	p0 =	sne.s32 s2, $0x0  }
0x10a: {  	s3 =	rddreg [dreg:$0x2];
	[bflag:$0x3] =	sbarrier.arrive $0xFFFF;
	s2 =	simm.s32 @!p0 $0x1C09  }
0x10b: {  	[timem:s3], [sflag:s2] =	dma.local @!p0 [hbm:s0], s1  }
0x10c: {  	s0 =	simm.s32 @!p0 $0x9  }
0x10d: {  	_ =	swait.ge @!p0 [sflag:s0], s1  }
0x10e: {  	s1 =	ssub.s32 @!p0 $0x0, s1;
	[sflag:s0] =	ssyncset.done @!p0 $0x0  }
0x10f: {  	[sflag:s0] =	ssyncadd.s32 @!p0 s1  }
0x110: {  	[bflag:$0x3] =	sbarrier.arrive $0xFFFF  }
0x111: {  	_ =	shalt  }

// kernel: sparse-core-data-format-call.cloned.1.call-start
scs
called_computation_lowered:
.L_overlay_start_0:
0x0: {  	s2 =	sld [smem:$0x3FD9]  }
0x1: {  	s3 =	sld [smem:$0x3FFE];
	_ =	sdelay $0x1  }
0x2: {  	s1 =	srdreg.scid  }
0x3: {  	s0 =	sand.u32 $0x1, s1  }
0x4: {  	s18 =	sshll.u32 s0, $0xA;
	s2 =	sadd.s32 s3, s2  }
0x5: {  	s2 =	sadd.s32 s2, s18  }
0x6: {  	[smem:$0x3FC5] =	sst s2  }
0x7: {  	_ = 	snop  }
0x8: {  	s2 =	sld [smem:$0x3FC7];
	(tm) =	ssettm $0x1  }
0x9: {  	s19 =	sld [smem:$0x3FFB];
	_ =	sdelay $0x3  }
0xa: {  	_ =	strace s19  }
0xb: {  	s3 =	sld [smem:$0x3FFC];
	_ =	sdelay $0x3  }
0xc: {  	_ =	strace s3  }
0xd: {  	s3 =	sld [smem:$0x3FFD];
	_ =	sdelay $0x3  }
0xe: {  	_ =	strace s3  }
0xf: {  	_ =	strace $0x8FFFFFFF  }
0x10: {  	s20 =	sld [smem:$0x3FDB];
	_ =	sdelay $0x1  }
0x11: {  	s4 =	simm.s32 $_scs_section_size  }
0x12: {  	s5 =	simm.s32 $_size__tile_overlayer_lowered;
	s6 =	simm.s32 $_tile_overlayer_lowered  }
0x13: {  	s23 =	simm.s32 $0x1BFF;
	s22 =	sshll.u32 s6, $0x1;
	s3 =	sadd.s32 s4, s20  }
0x14: {  	s7 =	simm.s32 $0x0;
	s21 =	sshll.u32 s5, $0x1;
	s5 =	sadd.s32 s22, s3  }
0x15: {  	[timem:s7], [sflag:s23] =	dma.local [hbm:s5], s21  }
0x16: {  	_ =	swait.ge [sflag:s23], s21  }
0x17: {  	s4 =	ssub.s32 $0x0, s21;
	[sflag:s23] =	ssyncset.done $0x0  }
0x18: {  	[sflag:s23] =	ssyncadd.s32 s4;
	_ =	sdelay $0x1  }
0x19: {  	s24 =	simm.s32 $0x1B8B  }
0x1a: {  	_ =	swait.ge [sflag:s24], $0x1  }
0x1b: {  	[sflag:s24] =	ssyncset.done $0x0  }
0x1c: {  	s26 =	simm.s32 $0x1B8E;
	s25 =	sld [smem:$0x3FFE];
	[sflag:s24] =	ssyncadd.s32 $0xFFFFFFFF  }
0x1d: {  	s27 =	simm.s32 $execute0_lowered;
	[smem:$0x3FD2] =	sst s26  }
0x1e: {  	s5 =	sshll.u32 s27, $0x1;
	_ =	strace $0x80000046;
	[dreg:$0x1] =	wrdreg $0xFFFFFFFF  }
0x1f: {  	s28 =	simm.s32 $_size_execute0_lowered;
	s3 =	sadd.s32 s3, s5;
	[dreg:$0x0] =	wrdreg $0x0  }
0x20: {  	s5 =	sshll.u32 s28, $0x1;
	[dreg:$0x2] =	wrdreg s3  }
0x21: {  	[dreg:$0x3] =	wrdreg s5  }
0x22: {  	[dreg:$0x4] =	wrdreg $0xC0  }
0x23: {  	_ =	task [dreg:s7], $0x5FFFF  }
0x24: {  	[dreg:$0x1] =	wrdreg $0xFFFFFFFF  }
0x25: {  	[dreg:$0x0] =	wrdreg $0x60  }
0x26: {  	[dreg:$0x2] =	wrdreg s2  }
0x27: {  	[dreg:$0x3] =	wrdreg s25  }
0x28: {  	[dreg:$0x4] =	wrdreg $0x9  }
0x29: {  	_ =	task.clear_ibuf [dreg:s7], $0x5FFFF;
	_ =	strace $0x90000046  }
0x2a: {  	s29 =	simm.s32 $0x9;
	_ =	strace $0x80000048  }
0x2b: {  	_ =	swait.ge [sflag:s29], $0x1  }
0x2c: {  	[sflag:s29] =	ssyncadd.s32 $0xFFFFFFFF  }
0x2d: {  	_ =	strace $0x90000048  }
0x2e: {  	_ =	sfence  }
0x2f: {  	s30 =	sld [smem:$0x0];
	_ =	sdelay $0x2  }
0x30: {  	s31 =	sshll.u32 s1, $0xD;
	s1 =	sshrl.u32 s1, $0x2  }
0x31: {  	s3 =	sand.u32 $0x4000, s31;
	s1 =	sadd.s32 s1, s30  }
0x32: {  	s0 =	sor.u32 s3, s0;
	s1 =	sshll.u32 s1, $0x11  }
0x33: {  	s0 =	sor.u32 s1, s0  }
0x34: {  	s0 =	sadd.s32 $0x8F2B, s0  }
0x35: {  	[sflag:s0] =	ssyncadd.remote.s32 $0x1  }
0x36: {  	_ =	sfence.sel $0xFFFF  }
0x37: {  	[dreg:$0x0] =	wrdreg $0xFFFFFFFF;
	(pc) =	sbr.abs _section_cstart, $3  }
0x38: {  	[dreg:$0x1] =	wrdreg $0xFFFFFFFF  }
0x39: {  	_ =	task.clear_ibuf [dreg:s7], $0x2FFFF;
	_ =	strace $0x9FFFFFFF  }
0x3a: {  	(tm) =	ssettm $0x7FFFFFFF  }
0x3b: {  	_ =	shalt  }
tec
execute0_lowered:
.L_overlay_start_1:
0x0: {  	(tag) =	ssettag $0x1  }
0x1: {  	s0 =	srdreg.scid;
	s2 =	rddreg [dreg:$0x0]  }
0x2: {  	s5 =	rddreg [dreg:$0x1];
	s1 =	stileid.u32  }
0x3: {  	s4 =	simm.s32 $0x1;
	s6 =	simm.s32 $0x2;
	s15 =	simm.s32 $0x0  }
0x4: {  	p0 =	por $0x0, $0x0;
	s8 =	simm.s32 $0x80;
	s0 =	sshll.u32 s0, $0x4  }
0x5: {  	s14 =	simm.s32 $0x0;
	s9 =	simm.s32 $0x0;
	s3 =	sand.u32 $0x10, s0  }
.Ltmp0:
0x6: {  	s10 =	simm.s32 $0x0;
	s3 =	sor.u32 s1, s3;
	(pc) =	sbr.rel .LBB1_1-.Ltmp0, $4  }
0x7: {  	s0 =	rddreg [dreg:$0x2];
	_ =	strace $0x80000047;
	s3 =	sshll.u32 s3, $0x7  }
0x8: {  	s12 =	simm.s32 $0x0;
	[sflag:s4] =	ssyncpa.u1 $0x0;
	s7 =	ssub.s32 $0xF4200, s3  }
0x9: {  	s13 =	simm.s32 $0x0;
	[sflag:s6] =	ssyncpa.u1 $0x0;
	s6 =	sshrl.u32 s7, $0xC  }
0xa: {  	s5 =	sadd.s32 $0xC00, s5;
	s11 =	smov.u32 s3;
	s7 =	sadd.s32 $0x2, s6  }
.LBB1_5:
0xb: {  	p1 =	slt.u32 s13, $0x2  }
0xc: {  	s17 =	smov.u32 s15;
	p2 =	sgt.s32 @!p1 s15, $0xF41C0;
	s16 =	sshra.s32 @!p1 s15, $0x1F  }
0xd: {  	p3 =	sgt.s32 @!p1 s14, $0x40;
	s18 =	sshra.s32 @!p1 s14, $0x1F;
	p2 =	por !p2, p1  }
0xe: {  	s15 =	sand.u32 @!p1 s16, s15;
	p3 =	por !p3, p1;
	s16 =	smov.u32 s14  }
0xf: {  	s14 =	sand.u32 @!p1 s18, s14;
	s17 =	simm.s32 @p2 $0xF41C0;
	s16 =	simm.s32 @p3 $0x40  }
0x10: {  	s15 =	ssub.s32 @!p1 s17, s15;
	s14 =	ssub.s32 @!p1 s16, s14  }
0x11: {  	s18 =	smov.u32 s12;
	s16 =	sadd.s32 @!p1 $0xFFF0BE40, s15;
	s17 =	sadd.s32 @!p1 $0xFFFFFFC0, s14  }
0x12: {  	s15 =	ssub.s32 @!p1 $0xF4240, s15;
	p2 =	sgt.s32 @!p1 s16, $0x7F;
	p3 =	sgt.s32 @!p1 s17, $0x3F  }
0x13: {  	s14 =	ssub.s32 @!p1 $0x80, s14;
	p2 =	por !p2, p1;
	p3 =	por !p3, p1  }
0x14: {  	s16 =	sadd.s32 $0x1000, s11;
	s15 =	simm.s32 @!p2 $0x0;
	s14 =	simm.s32 @!p3 $0x0  }
0x15: {  	p2 =	sgt.s32 s16, $0xF423F;
	s14 =	smul.u32 @!p1 s14, s15;
	s15 =	sadd.s32 $0x40, s12  }
0x16: {  	s18 =	smov.u32 @p2 s15  }
0x17: {  	s16 =	smov.u32 @p2 s3;
	p2 =	sgt.s32 s18, $0x3F  }
0x18: {  	s18 =	simm.s32 @p2 $0x0;
	p2 =	sne.s32 s13, s7  }
.Ltmp1:
0x19: {  	p0 =	por !p0, !p0;
	s17 =	simm.s32 @!p1 $0x2;
	(pc) =	sbr.rel @!p2 .LBB1_6-.Ltmp1, $4  }
0x1a: {  	s15 =	smov.u32 s9;
	s9 =	smov.u32 s11;
	s14 =	sand.u32 @!p1 $0x3FFFFFFF, s14  }
0x1b: {  	s11 =	smov.u32 s16;
	_ =	swait.ge @!p1 [sflag:s17], s14;
	s19 =	ssub.s32 @!p1 $0x0, s14  }
0x1c: {  	s14 =	smov.u32 s10;
	s13 =	sadd.s32 $0x1, s13;
	[sflag:s17] =	ssyncset.done @!p1 $0x0  }
0x1d: {  	s10 =	smov.u32 s12;
	s12 =	smov.u32 s18;
	[sflag:s17] =	ssyncadd.s32 @!p1 s19  }
.LBB1_1:
0x1e: {  	p1 =	sgt.u32 s13, s6  }
0x1f: {  	s16 =	sshrl.u32 @!p1 s12, $0x3  }
0x20: {  	s17 =	sshll.u32 @!p1 s11, $0x3;
	s16 =	smul.u32 @!p1 $0x7A1400, s16  }
0x21: {  	s18 =	sshll.u32 @!p1 s12, $0x7;
	s17 =	sand.u32 @!p1 $0xFFFFFC00, s17  }
0x22: {  	s16 =	sadd.s32 @!p1 s16, s17;
	s17 =	sand.u32 @!p1 $0x380, s18  }
0x23: {  	s18 =	sand.u32 @!p1 $0x7F, s11;
	s16 =	sor.u32 @!p1 s17, s16  }
0x24: {  	s17 =	sor.u32 @!p1 s18, s16  }
0x25: {  	s18 =	smulhi.u32 @!p1 $0x218D6287, s17;
	_ =	sdelay $0x1  }
0x26: {  	s16 =	smulhi.u32 @!p1 $0x218D6287, s16;
	s18 =	sshrl.u32 @!p1 s18, $0x11  }
0x27: {  	s18 =	smul.u32 @!p1 $0xF4280, s18  }
0x28: {  	s19 =	sxor.u32 @!p1 $0xFFFFFFFF, s13;
	s16 =	sshrl.u32 @!p1 s16, $0x11  }
0x29: {  	s19 =	sshll.u32 @!p1 s19, $0xD;
	s16 =	sand.u32 @!p1 $0x3F, s16;
	s17 =	ssub.s32 @!p1 s17, s18  }
0x2a: {  	s16 =	smul.u32 @!p1 $0x1E850, s16;
	s18 =	sshrl.u32 @!p1 s17, $0x3;
	s17 =	sand.u32 @!p1 $0x7, s17  }
0x2b: {  	s19 =	sand.u32 @!p1 $0x2000, s19;
	s18 =	sadd.s32 @!p1 s2, s18;
	s17 =	sshll.u32 @!p1 s17, $0x12  }
0x2c: {  	s16 =	sadd.s32 @!p1 s16, s18;
	s17 =	sor.u32 @!p1 $0x400, s17;
	s18 =	simm.s32 @!p1 $0x7A1400  }
0x2d: {  	[tilespmem:s19], [sflag:$0x1] =	stream.strided.gather @!p1 [hbm4b:s16+s17], $0x2000, s18, s17, $0x38;
	[tilespmem:$0x8100] =	vst v63  }
0x2e: {  	p1 =	seq.s32 s13, $0x0  }
0x2f: {  	p2 =	sge.u32 @!p1 s13, s7  }
0x30: {  	p1 =	por p1, p2  }
.Ltmp2:
0x31: {  	_ = 	snop;
	(pc) =	sbr.rel @p1 .LBB1_5-.Ltmp2, $1  }
0x32: {  	_ =	sdelay $0x3  }
0x33: {  	s16 =	simm.s32 $0x1  }
0x34: {  	_ =	swait.ge [sflag:s4], $0x2000;
	s16 =	simm.s32 @!p0 $0x0  }
0x35: {  	[sflag:s4] =	ssyncset.done $0x0;
	s17 =	sshll.u32 s16, $0xD  }
0x36: {  	[sflag:s4] =	ssyncadd.s32 $0xFFFFE000;
	s17 =	sor.u32 $0x40, s17  }
0x37: {  	s16 =	smul.u32 $0x8200, s16;
	v0 =	vld [tilespmem:s17+$0x30]  }
0x38: {  	v1 =	vld [tilespmem:s17+$0xFFFFFFD0]  }
0x39: {  	s16 =	sshrl.u32 s16, $0x2;
	v5 =	vld [tilespmem:s17+$0xFFFFFFE0]  }
0x3a: {  	v6 =	vld [tilespmem:s17+$0xFFFFFFF0];
	s19 =	sor.u32 $0x4000, s16  }
0x3b: {  	s31 =	sand.u32 $0x1, s13;
	v4 =	vld [tilespmem:s17+$0x0];
	s18 =	sadd.s32 $0x0, s19  }
0x3c: {  	v3 =	vld [tilespmem:s17+$0x10];
	s16 =	smul.u32 $0x8200, s31;
	[tilespmem:s18+$0x1C70 ss:$0x41] =	vst.msk $0xffff, v0  }
0x3d: {  	v2 =	vld [tilespmem:s17+$0x20];
	[tilespmem:s18+$0x410 ss:$0x41] =	vst.msk $0xffff, v1  }
0x3e: {  	s16 =	sshrl.u32 s16, $0x2;
	v1 =	vld [tilespmem:s17+$0xFFFFFFC0];
	[tilespmem:s18+$0x820 ss:$0x41] =	vst.msk $0xffff, v5;
	s17 =	sadd.s32 $0x80, s17  }
0x3f: {  	s20 =	simm.s32 $0x4;
	s21 =	simm.s32 $0x8;
	s16 =	sor.u32 $0x4000, s16;
	[tilespmem:s18+$0xC30 ss:$0x41] =	vst.msk $0xffff, v6;
	v0 =	vld [tilespmem:s17+$0x30]  }
.LBB1_3:
0x40: {  	p1 =	sne.s32 s21, $0xFC;
	v5 =	vld [tilespmem:s17+$0xFFFFFFD0];
	[tilespmem:s18+$0x1040 ss:$0x41] =	vst.msk $0xffff, v4  }
0x41: {  	v6 =	vld [tilespmem:s17+$0xFFFFFFE0];
	[tilespmem:s18+$0x1450 ss:$0x41] =	vst.msk $0xffff, v3  }
0x42: {  	s22 =	sshra.s32 s20, $0x2;
	s20 =	smov.u32 s21;
	v7 =	vld [tilespmem:s17+$0xFFFFFFF0];
	[tilespmem:s18+$0x1860 ss:$0x41] =	vst.msk $0xffff, v2  }
.Ltmp3:
0x43: {  	v4 =	vld [tilespmem:s17+$0x0];
	[tilespmem:s18+$0x0 ss:$0x41] =	vst.msk $0xffff, v1;
	s18 =	sadd.s32 s22, s19;
	(pc) =	sbr.rel @p1 .LBB1_3-.Ltmp3, $4  }
0x44: {  	v3 =	vld [tilespmem:s17+$0x10];
	[tilespmem:s18+$0x1C70 ss:$0x41] =	vst.msk $0xffff, v0  }
0x45: {  	[tilespmem:s18+$0x410 ss:$0x41] =	vst.msk $0xffff, v5;
	v2 =	vld [tilespmem:s17+$0x20]  }
0x46: {  	v1 =	vld [tilespmem:s17+$0xFFFFFFC0];
	[tilespmem:s18+$0x820 ss:$0x41] =	vst.msk $0xffff, v6;
	s17 =	sadd.s32 $0x80, s17  }
0x47: {  	s21 =	sadd.s32 $0x4, s21;
	v0 =	vld [tilespmem:s17+$0x30];
	[tilespmem:s18+$0xC30 ss:$0x41] =	vst.msk $0xffff, v7  }
0x48: {  	s21 =	sshll.u32 s9, $0x7;
	s22 =	sshll.u32 s10, $0x3;
	s20 =	sshra.s32 s20, $0x2  }
0x49: {  	p1 =	sgt.s32 s9, $0xF41C0;
	s30 =	sshra.s32 s9, $0x1F;
	s25 =	sshra.s32 s10, $0x1F  }
0x4a: {  	v5 =	vld [tilespmem:s17+$0xFFFFFFD0];
	s28 =	sshrl.u32 s10, $0x3;
	s23 =	sand.u32 $0xFFFFFC00, s21;
	s22 =	sand.u32 $0xFFFFFC00, s22  }
0x4b: {  	[tilespmem:s18+$0x1040 ss:$0x41] =	vst.msk $0xffff, v4;
	v58 =	vld [tilespmem:s17+$0xFFFFFFE0];
	s21 =	sand.u32 $0x380, s21;
	s19 =	sadd.s32 s20, s19;
	s22 =	sadd.s32 s22, s23  }
0x4c: {  	v59 =	vld [tilespmem:s17+$0xFFFFFFF0];
	[tilespmem:s18+$0x1450 ss:$0x41] =	vst.msk $0xffff, v3;
	s29 =	sor.u32 s21, s22;
	s21 =	smov.u32 s9;
	s22 =	sand.u32 s30, s9  }
0x4d: {  	v60 =	vld [tilespmem:s17+$0x0];
	[tilespmem:s18+$0x1860 ss:$0x41] =	vst.msk $0xffff, v2;
	s30 =	sand.u32 $0x7, s10;
	s20 =	sshrl.u32 s29, $0x7;
	s21 =	simm.s32 @!p1 $0xF41C0  }
0x4e: {  	v61 =	vld [tilespmem:s17+$0x10];
	[tilespmem:s18+$0x0 ss:$0x41] =	vst.msk $0xffff, v1;
	p1 =	sgt.s32 s10, $0x40;
	s24 =	ssub.s32 s21, s22;
	s21 =	smov.u32 s10  }
0x4f: {  	v62 =	vld [tilespmem:s17+$0x20];
	[tilespmem:s19+$0x1C70 ss:$0x41] =	vst.msk $0xffff, v0;
	s31 =	smulhi.u32 $0x218DEF5, s20;
	s22 =	sand.u32 s25, s10;
	s21 =	simm.s32 @!p1 $0x40  }
0x50: {  	v63 =	vld [tilespmem:s17+$0xFFFFFFC0];
	[tilespmem:s19+$0x410 ss:$0x41] =	vst.msk $0xffff, v5;
	s26 =	sadd.s32 $0xFFF0BE40, s24;
	s17 =	ssub.s32 $0xF4240, s24;
	s21 =	ssub.s32 s21, s22  }
0x51: {  	[tilespmem:s19+$0x820 ss:$0x41] =	vst.msk $0xffff, v58;
	s23 =	sshrl.u32 s31, $0xD;
	p1 =	sgt.s32 s26, $0x7F;
	s27 =	sadd.s32 $0xFFFFFFC0, s21  }
0x52: {  	[tilespmem:s19+$0xC30 ss:$0x41] =	vst.msk $0xffff, v59;
	s23 =	smul.u32 $0xF4240, s23;
	s18 =	ssub.s32 $0x80, s21;
	p2 =	sgt.s32 s27, $0x3F  }
.Ltmp4:
0x53: {  	[tilespmem:s19+$0x1040 ss:$0x41] =	vst.msk $0xffff, v60;
	s17 =	simm.s32 @p1 $0x0;
	s18 =	simm.s32 @p2 $0x0;
	(pc) =	sbr.rel .LBB1_5-.Ltmp4, $4  }
0x54: {  	s29 =	sand.u32 $0xF, s28;
	[tilespmem:s19+$0x1450 ss:$0x41] =	vst.msk $0xffff, v61;
	s20 =	ssub.s32 s20, s23;
	s17 =	smul.u32 s18, s17  }
0x55: {  	[tilespmem:s19+$0x1860 ss:$0x41] =	vst.msk $0xffff, v62;
	s21 =	sshll.u32 s30, $0x12;
	s20 =	sshll.u32 s20, $0x4;
	s18 =	sadd.s32 s5, s29  }
0x56: {  	[tilespmem:s19+$0x0 ss:$0x41] =	vst.msk $0xffff, v63;
	s31 =	sor.u32 $0x40, s21;
	s18 =	sadd.s32 s20, s18;
	s17 =	sand.u32 $0x3FFFFFFF, s17  }
0x57: {  	[hbm4b:s18+s31] =	stream.strided.scatter [tilespmem:s16], [sflag:$0x2], s17, s8, s31, $0x18;
	[tilespmem:$0x8100] =	vst v63  }
.LBB1_6:
0x58: {  	_ =	sfence.sel $0x180000  }
0x59: {  	s2 =	simm.s32 $0x1;
	[bflag:$0x0] =	sbarrier.arrive $0xFFFF  }
0x5a: {  	s31 =	simm.s32 $0x2;
	[sflag:s2] =	ssyncpa.u1 $0x1  }
0x5b: {  	[sflag:s31] =	ssyncpa.u1 $0x1  }
0x5c: {  	p0 =	sne.s32 s1, $0x0;
	_ =	strace $0x90000047  }
0x5d: {  	s0 =	sadd.s32 @!p0 $0x100000, s0;
	[bflag:$0x2] =	sbarrier.arrive $0xFFFF  }
0x5e: {  	[sflag:s0] =	ssyncadd.tile.s32 @!p0 $0x1;
	_ =	shalt  }
.Lfunc_end1:
_tile_overlayer_lowered:
.L_overlay_start_2:
0x5f: {  	(tag) =	ssettag $0x2  }
0x60: {  	s0 =	rddreg [dreg:$0x0];
	s2 =	stileid.u32  }
0x61: {  	s1 =	rddreg [dreg:$0x1];
	p0 =	sne.s32 s2, $0x0  }
0x62: {  	s3 =	rddreg [dreg:$0x2];
	[bflag:$0x3] =	sbarrier.arrive $0xFFFF;
	s2 =	simm.s32 @!p0 $0x1C01  }
0x63: {  	[timem:s3], [sflag:s2] =	dma.local @!p0 [hbm:s0], s1  }
0x64: {  	s0 =	simm.s32 @!p0 $0x1  }
0x65: {  	_ =	swait.ge @!p0 [sflag:s0], s1  }
0x66: {  	s1 =	ssub.s32 @!p0 $0x0, s1;
	[sflag:s0] =	ssyncset.done @!p0 $0x0  }
0x67: {  	[sflag:s0] =	ssyncadd.s32 @!p0 s1  }
0x68: {  	[bflag:$0x3] =	sbarrier.arrive $0xFFFF  }
0x69: {  	_ =	shalt  }

</sc_bundles>
